<compile_context>
chip_gen: v7x
topology: tpu7x:2x2x1
jax: 0.10.2.dev20260603
libtpu: 0.0.44.dev20260713+nightly
codegen_flags: <defaults>
</compile_context>

<pallas_src>
import functools

import jax
import jax.numpy as jnp
from jax import lax
from jax.experimental import pallas as pl
from jax.experimental.pallas import tpu as pltpu
from jax.experimental.pallas import tpu_sc as plsc

N_REAL = 5000
N_PAD = 5120
ROW_BLK = 1024
RB = N_PAD // ROW_BLK
NW = 32
CHUNK = (4 * N_PAD) // NW
PAD_COORD = 1.0e15
FS_T = 0.1
BIG_I = 2 ** 30


def _norms_body(p_ref, g_ref, nha_ref, nb_ref):
    p = p_ref[0]
    g = g_ref[0]
    nha_ref[0] = (-0.5) * jnp.sum(p * p, axis=1, keepdims=True)
    nb_ref[0] = (-0.5) * jnp.sum(g * g, axis=0, keepdims=True)


def _chamfer_body(pb_ref, gb_ref, nha_ref, nb_ref,
                  ip_ref, cn_ref, ci_ref):
    rb = pl.program_id(1)
    pb = pb_ref[0]
    gb = gb_ref[0]
    nha = nha_ref[0]
    nb = nb_ref[0]
    u = lax.dot_general(pb, gb, (((0,), (0,)), ((), ())),
                        preferred_element_type=jnp.float32)
    t1 = u + nb
    colidx = lax.broadcasted_iota(jnp.int32, (ROW_BLK, N_PAD), 1)
    rn = jnp.max(t1, axis=1, keepdims=True)
    ip_ref[0] = jnp.min(jnp.where(t1 == rn, colidx, BIG_I),
                        axis=1, keepdims=True)
    t2 = u + nha
    rowidx = (lax.broadcasted_iota(jnp.int32, (ROW_BLK, N_PAD), 0)
              + rb * ROW_BLK)
    cn = jnp.max(t2, axis=0, keepdims=True)
    cn_ref[0, 0] = cn
    ci_ref[0, 0] = jnp.min(jnp.where(t2 == cn, rowidx, BIG_I), axis=0,
                           keepdims=True)


def _select_body(cn_ref, ci_ref, ig_ref):
    cn = cn_ref[...]
    ci = ci_ref[...]
    cg = jnp.max(cn, axis=1, keepdims=True)
    ig_ref[...] = jnp.min(jnp.where(cn == cg, ci, BIG_I), axis=1)


def _sc_exact(px, py, pz, gx, gy, gz, ip, ig, dp_out, dg_out,
              pxb, pyb, pzb, gxb, gyb, gzb, ipc, igc, dpc, dgc):
    nc = 2
    w = lax.axis_index("s") * nc + lax.axis_index("c")
    b = w // 8
    c0 = (w % 8) * CHUNK

    pltpu.sync_copy(px.at[pl.ds(b * N_PAD, N_PAD)], pxb)
    pltpu.sync_copy(py.at[pl.ds(b * N_PAD, N_PAD)], pyb)
    pltpu.sync_copy(pz.at[pl.ds(b * N_PAD, N_PAD)], pzb)
    pltpu.sync_copy(gx.at[pl.ds(b * N_PAD, N_PAD)], gxb)
    pltpu.sync_copy(gy.at[pl.ds(b * N_PAD, N_PAD)], gyb)
    pltpu.sync_copy(gz.at[pl.ds(b * N_PAD, N_PAD)], gzb)
    pltpu.sync_copy(ip.at[pl.ds(w * CHUNK, CHUNK)], ipc)
    pltpu.sync_copy(ig.at[pl.ds(w * CHUNK, CHUNK)], igc)

    def body(i, _):
        s = pl.ds(i * 16, 16)
        sc = pl.ds(c0 + i * 16, 16)
        iv = ipc[s]
        nx = plsc.load_gather(gxb, [iv])
        ny = plsc.load_gather(gyb, [iv])
        nz = plsc.load_gather(gzb, [iv])
        dx = pxb[sc] - nx
        dy = pyb[sc] - ny
        dz = pzb[sc] - nz
        dpc[s] = dx * dx + dy * dy + dz * dz
        jv = igc[s]
        mx = plsc.load_gather(pxb, [jv])
        my = plsc.load_gather(pyb, [jv])
        mz = plsc.load_gather(pzb, [jv])
        ex = gxb[sc] - mx
        ey = gyb[sc] - my
        ez = gzb[sc] - mz
        dgc[s] = ex * ex + ey * ey + ez * ez
        return 0

    lax.fori_loop(0, CHUNK // 16, body, 0, unroll=2)

    pltpu.sync_copy(dpc, dp_out.at[pl.ds(w * CHUNK, CHUNK)])
    pltpu.sync_copy(dgc, dg_out.at[pl.ds(w * CHUNK, CHUNK)])


def _finalize_body(dp_ref, dg_ref, out_ref):
    def stats(d2):
        mask = lax.broadcasted_iota(jnp.int32, d2.shape, 1) < N_REAL
        d = jnp.sqrt(jnp.maximum(d2, 1e-12))
        mean_d = jnp.sum(jnp.where(mask, d, 0.0), axis=1) / N_REAL
        frac = jnp.sum(jnp.where(mask & (d < FS_T), 1.0, 0.0), axis=1) / N_REAL
        return mean_d, frac

    mp, fp = stats(dp_ref[...])
    mg, fg = stats(dg_ref[...])
    cd = (mp + mg) / 2.0
    fs = 2.0 * fp * fg / (fp + fg + 1e-08)
    out_ref[...] = jnp.stack([cd, fs], axis=0)


def kernel(pred, gt):
    B, N, _ = pred.shape

    def prep(x):
        x = jnp.pad(x, ((0, 0), (0, N_PAD - N), (0, 0)),
                    constant_values=PAD_COORD)
        return jnp.pad(x, ((0, 0), (0, 0), (0, 5)))

    p8 = prep(pred)
    g8 = prep(gt)
    pt = p8.transpose(0, 2, 1)
    gt8 = g8.transpose(0, 2, 1)
    pbt = pt.astype(jnp.bfloat16)
    gbt = gt8.astype(jnp.bfloat16)

    nha, nb = pl.pallas_call(
        _norms_body,
        grid=(B,),
        in_specs=[
            pl.BlockSpec((1, N_PAD, 8), lambda b: (b, 0, 0)),
            pl.BlockSpec((1, 8, N_PAD), lambda b: (b, 0, 0)),
        ],
        out_specs=[
            pl.BlockSpec((1, N_PAD, 1), lambda b: (b, 0, 0)),
            pl.BlockSpec((1, 1, N_PAD), lambda b: (b, 0, 0)),
        ],
        out_shape=[
            jax.ShapeDtypeStruct((B, N_PAD, 1), jnp.float32),
            jax.ShapeDtypeStruct((B, 1, N_PAD), jnp.float32),
        ],
    )(p8, gt8)

    colspec = pl.BlockSpec((1, 1, 1, N_PAD), lambda b, rb: (b, rb, 0, 0))

    ip, cn, ci = pl.pallas_call(
        _chamfer_body,
        grid=(B, RB),
        in_specs=[
            pl.BlockSpec((1, 8, ROW_BLK), lambda b, rb: (b, 0, rb)),
            pl.BlockSpec((1, 8, N_PAD), lambda b, rb: (b, 0, 0)),
            pl.BlockSpec((1, ROW_BLK, 1), lambda b, rb: (b, rb, 0)),
            pl.BlockSpec((1, 1, N_PAD), lambda b, rb: (b, 0, 0)),
        ],
        out_specs=[
            pl.BlockSpec((1, ROW_BLK, 1), lambda b, rb: (b, rb, 0)),
            colspec, colspec,
        ],
        out_shape=[
            jax.ShapeDtypeStruct((B, N_PAD, 1), jnp.int32),
            jax.ShapeDtypeStruct((B, RB, 1, N_PAD), jnp.float32),
            jax.ShapeDtypeStruct((B, RB, 1, N_PAD), jnp.int32),
        ],
    )(pbt, gbt, nha, nb)

    ig = pl.pallas_call(
        _select_body,
        out_shape=jax.ShapeDtypeStruct((B, N_PAD), jnp.int32),
    )(cn.reshape(B, RB, N_PAD), ci.reshape(B, RB, N_PAD))

    p3 = pt[:, :3, :].transpose(1, 0, 2).reshape(3, B * N_PAD)
    g3 = gt8[:, :3, :].transpose(1, 0, 2).reshape(3, B * N_PAD)

    mesh = plsc.VectorSubcoreMesh(core_axis_name="c", subcore_axis_name="s",
                                  num_cores=2, num_subcores=16)
    sc = functools.partial(
        pl.kernel,
        mesh=mesh,
        compiler_params=pltpu.CompilerParams(needs_layout_passes=False),
        out_type=[
            jax.ShapeDtypeStruct((B * N_PAD,), jnp.float32),
            jax.ShapeDtypeStruct((B * N_PAD,), jnp.float32),
        ],
        scratch_types=[
            pltpu.VMEM((N_PAD,), jnp.float32),
            pltpu.VMEM((N_PAD,), jnp.float32),
            pltpu.VMEM((N_PAD,), jnp.float32),
            pltpu.VMEM((N_PAD,), jnp.float32),
            pltpu.VMEM((N_PAD,), jnp.float32),
            pltpu.VMEM((N_PAD,), jnp.float32),
            pltpu.VMEM((CHUNK,), jnp.int32),
            pltpu.VMEM((CHUNK,), jnp.int32),
            pltpu.VMEM((CHUNK,), jnp.float32),
            pltpu.VMEM((CHUNK,), jnp.float32),
        ],
    )(_sc_exact)
    dp, dg = sc(p3[0], p3[1], p3[2], g3[0], g3[1], g3[2],
                ip.reshape(B * N_PAD), ig.reshape(B * N_PAD))

    out = pl.pallas_call(
        _finalize_body,
        out_shape=jax.ShapeDtypeStruct((2, B), jnp.float32),
    )(dp.reshape(B, N_PAD), dg.reshape(B, N_PAD))
    return out

# --- scband reference (transcript-rebuilt; emitter-appended) ---
"""Pipeline reference for scband-ssi3-dscore-84739704750714 (READ-ONLY COPY).

The authoritative reference and input builder live on the scoring server;
editing this copy changes nothing except your own understanding.
"""

import jax, jax.numpy as jnp
import numpy as np

FS_THRES = 0.1  # self.fs_thres

B = 4
N = 5000  # num_eval_pts

def setup_inputs(seed: int = 0) -> dict:
    key = jax.random.key(seed)
    k1, k2 = jax.random.split(key)
    pred = jax.random.normal(k1, (B, N, 3), dtype=jnp.float32)
    gt = jax.random.normal(k2, (B, N, 3), dtype=jnp.float32)
    return {"pred": pred, "gt": gt}


def _chamfer_nn(pred, gt):
    # Brute-force 1-NN both directions (equivalent to pytorch3d chamfer_distance
    # with point_reduction=None, norm=2, returning per-point squared dists).
    a2 = jnp.sum(pred * pred, axis=-1)[:, :, None]          # [B, N, 1]
    b2 = jnp.sum(gt * gt, axis=-1)[:, None, :]              # [B, 1, M]
    d2 = a2 + b2 - 2.0 * jnp.einsum('bnd,bmd->bnm', pred, gt)  # [B, N, M]
    d2 = jax.lax.stop_gradient(d2)
    idx_pg = jnp.argmin(d2, axis=2)   # nearest gt for each pred point  [B, N]
    idx_gp = jnp.argmin(d2, axis=1)   # nearest pred for each gt point  [B, M]
    # Recompute exact squared distance via differentiable gather.
    nn_g = jnp.take_along_axis(gt, idx_pg[:, :, None], axis=1)    # [B, N, 3]
    nn_p = jnp.take_along_axis(pred, idx_gp[:, :, None], axis=1)  # [B, M, 3]
    dist_pred_sq = jnp.sum((pred - nn_g) ** 2, axis=-1)  # [B, N]
    dist_gt_sq = jnp.sum((gt - nn_p) ** 2, axis=-1)      # [B, M]
    return dist_pred_sq, dist_gt_sq


def reference(pred, gt):
    # chamfer_and_fscore(pred, gt, eval_layers=None, use_single_dir=False)
    dist_pred_sq, dist_gt_sq = _chamfer_nn(pred, gt)
    dist_pred = jnp.sqrt(jnp.maximum(dist_pred_sq, 1e-12))
    dist_gt = jnp.sqrt(jnp.maximum(dist_gt_sq, 1e-12))
    chamfer_dist = (dist_pred.mean(axis=1) + dist_gt.mean(axis=1)) / 2.0  # [B]
    # fscore_from_cd
    f_pred = (dist_pred < FS_THRES).astype(jnp.float32).mean(axis=1)
    f_gt = (dist_gt < FS_THRES).astype(jnp.float32).mean(axis=1)
    f_score = 2.0 * f_pred * f_gt / (f_pred + f_gt + 1e-08)  # [B]
    return jnp.stack([chamfer_dist, f_score], axis=0)  # [2, B]

if __name__ == "__main__":
    import jax
    _d = setup_inputs()
    print(jax.jit(kernel)(*tuple(_d.values())))

</pallas_src>

<mosaic_0001>
#map = affine_map<(d0, d1) -> (0)>
module attributes {stable_mosaic.version = 14 : i64} {
  func.func @_sc_exact(%arg0: i32, %arg1: i32, %arg2: memref<20480xf32, #tpu.memory_space<hbm>>, %arg3: memref<20480xf32, #tpu.memory_space<hbm>>, %arg4: memref<20480xf32, #tpu.memory_space<hbm>>, %arg5: memref<20480xf32, #tpu.memory_space<hbm>>, %arg6: memref<20480xf32, #tpu.memory_space<hbm>>, %arg7: memref<20480xf32, #tpu.memory_space<hbm>>, %arg8: memref<20480xi32, #tpu.memory_space<hbm>>, %arg9: memref<20480xi32, #tpu.memory_space<hbm>>, %arg10: memref<20480xf32, #tpu.memory_space<hbm>>, %arg11: memref<20480xf32, #tpu.memory_space<hbm>>, %arg12: memref<5120xf32, #tpu.memory_space<vmem>>, %arg13: memref<5120xf32, #tpu.memory_space<vmem>>, %arg14: memref<5120xf32, #tpu.memory_space<vmem>>, %arg15: memref<5120xf32, #tpu.memory_space<vmem>>, %arg16: memref<5120xf32, #tpu.memory_space<vmem>>, %arg17: memref<5120xf32, #tpu.memory_space<vmem>>, %arg18: memref<640xi32, #tpu.memory_space<vmem>>, %arg19: memref<640xi32, #tpu.memory_space<vmem>>, %arg20: memref<640xf32, #tpu.memory_space<vmem>>, %arg21: memref<640xf32, #tpu.memory_space<vmem>>) attributes {dimension_semantics = [#tpu.dimension_semantics<core_parallel>, #tpu.dimension_semantics<subcore_parallel>], iteration_bounds = array<i64: 2, 16>, scalar_prefetch = 0 : i64, scratch_operands = 10 : i64, tpu.core_type = #tpu.core_type<sc_vector_subcore>, window_params = [{transform_indices = #map}, {transform_indices = #map}, {transform_indices = #map}, {transform_indices = #map}, {transform_indices = #map}, {transform_indices = #map}, {transform_indices = #map}, {transform_indices = #map}, {transform_indices = #map}, {transform_indices = #map}]} {
    %mul3A = arith.constant 2 : i32
    %mul3A_0 = arith.muli %arg1, %mul3A : i32
    %add3A = arith.addi %mul3A_0, %arg0 : i32
    %jit3A = arith.constant 8 : i32
    %div3A = arith.divsi %add3A, %jit3A : i32
    %sign3A = arith.constant 0 : i32
    %sign3A_1 = arith.cmpi sgt, %add3A, %sign3A : i32
    %sign3A_2 = arith.extui %sign3A_1 : i1 to i32
    %sign3A_3 = arith.constant 0 : i32
    %sign3A_4 = arith.cmpi slt, %add3A, %sign3A_3 : i32
    %sign3A_5 = arith.extui %sign3A_4 : i1 to i32
    %sign3A_6 = arith.subi %sign3A_2, %sign3A_5 : i32
    %sign3A_7 = arith.constant 0 : i32
    %sign3A_8 = arith.cmpi sgt, %jit3A, %sign3A_7 : i32
    %sign3A_9 = arith.extui %sign3A_8 : i1 to i32
    %sign3A_10 = arith.constant 0 : i32
    %sign3A_11 = arith.cmpi slt, %jit3A, %sign3A_10 : i32
    %sign3A_12 = arith.extui %sign3A_11 : i1 to i32
    %sign3A_13 = arith.subi %sign3A_9, %sign3A_12 : i32
    %ne3A = arith.cmpi ne, %sign3A_6, %sign3A_13 : i32
    %rem3A = arith.remsi %add3A, %jit3A : i32
    %ne3A_14 = arith.constant 0 : i32
    %ne3A_15 = arith.cmpi ne, %rem3A, %ne3A_14 : i32
    %and3A = arith.andi %ne3A, %ne3A_15 : i1
    %sub3A = arith.constant 1 : i32
    %sub3A_16 = arith.subi %div3A, %sub3A : i32
    %select_n3A = arith.select %and3A, %sub3A_16, %div3A : i32
    %jit3A_17 = arith.constant 8 : i32
    %eq3A = arith.constant 0 : i32
    %eq3A_18 = arith.cmpi eq, %jit3A_17, %eq3A : i32
    %jit3A_19 = arith.constant 1 : i32
    %select_n3A_20 = arith.select %eq3A_18, %jit3A_19, %jit3A_17 : i32
    %rem3A_21 = arith.remsi %add3A, %select_n3A_20 : i32
    %ne3A_22 = arith.constant 0 : i32
    %ne3A_23 = arith.cmpi ne, %rem3A_21, %ne3A_22 : i32
    %lt3A = arith.constant 0 : i32
    %lt3A_24 = arith.cmpi slt, %rem3A_21, %lt3A : i32
    %lt3A_25 = arith.constant 0 : i32
    %lt3A_26 = arith.cmpi slt, %select_n3A_20, %lt3A_25 : i32
    %ne3A_27 = arith.xori %lt3A_24, %lt3A_26 : i1
    %and3A_28 = arith.andi %ne3A_27, %ne3A_23 : i1
    %add3A_29 = arith.addi %rem3A_21, %select_n3A_20 : i32
    %select_n3A_30 = arith.select %and3A_28, %add3A_29, %rem3A_21 : i32
    %mul3A_31 = arith.constant 640 : i32
    %mul3A_32 = arith.muli %select_n3A_30, %mul3A_31 : i32
    %mul3A_33 = arith.constant 5120 : i32
    %mul3A_34 = arith.muli %select_n3A, %mul3A_33 : i32
    "tpu.region"() ({
      %run_scoped3A = tpu.sem_alloc : memref<!tpu.dma_semaphore, #tpu.memory_space<semaphore_mem>>
      %dma_start3A = tpu.memref_slice %arg2[%mul3A_34] : memref<20480xf32, #tpu.memory_space<hbm>> -> memref<5120xf32, #tpu.memory_space<hbm>>
      %dma_start3A_59 = tpu.memref_slice %arg2[%mul3A_34] : memref<20480xf32, #tpu.memory_space<hbm>> -> memref<5120xf32, #tpu.memory_space<hbm>>
      tpu.enqueue_dma source(%dma_start3A_59 : memref<5120xf32, #tpu.memory_space<hbm>>) target(%arg12 : memref<5120xf32, #tpu.memory_space<vmem>>) target_semaphore(%run_scoped3A : memref<!tpu.dma_semaphore, #tpu.memory_space<semaphore_mem>>)
      %dma_wait3A = tpu.memref_slice %arg2[%mul3A_34] : memref<20480xf32, #tpu.memory_space<hbm>> -> memref<5120xf32, #tpu.memory_space<hbm>>
      %dma_wait3A_60 = tpu.memref_slice %arg2[%mul3A_34] : memref<20480xf32, #tpu.memory_space<hbm>> -> memref<5120xf32, #tpu.memory_space<hbm>>
      tpu.wait_dma2 semaphore(%run_scoped3A : memref<!tpu.dma_semaphore, #tpu.memory_space<semaphore_mem>>) src(%dma_wait3A_60 : memref<5120xf32, #tpu.memory_space<hbm>>) dst(%arg12 : memref<5120xf32, #tpu.memory_space<vmem>>)
      tpu.yield
    }) : () -> ()
    %mul3A_35 = arith.constant 5120 : i32
    %mul3A_36 = arith.muli %select_n3A, %mul3A_35 : i32
    "tpu.region"() ({
      %run_scoped3A = tpu.sem_alloc : memref<!tpu.dma_semaphore, #tpu.memory_space<semaphore_mem>>
      %dma_start3A = tpu.memref_slice %arg3[%mul3A_36] : memref<20480xf32, #tpu.memory_space<hbm>> -> memref<5120xf32, #tpu.memory_space<hbm>>
      %dma_start3A_59 = tpu.memref_slice %arg3[%mul3A_36] : memref<20480xf32, #tpu.memory_space<hbm>> -> memref<5120xf32, #tpu.memory_space<hbm>>
      tpu.enqueue_dma source(%dma_start3A_59 : memref<5120xf32, #tpu.memory_space<hbm>>) target(%arg13 : memref<5120xf32, #tpu.memory_space<vmem>>) target_semaphore(%run_scoped3A : memref<!tpu.dma_semaphore, #tpu.memory_space<semaphore_mem>>)
      %dma_wait3A = tpu.memref_slice %arg3[%mul3A_36] : memref<20480xf32, #tpu.memory_space<hbm>> -> memref<5120xf32, #tpu.memory_space<hbm>>
      %dma_wait3A_60 = tpu.memref_slice %arg3[%mul3A_36] : memref<20480xf32, #tpu.memory_space<hbm>> -> memref<5120xf32, #tpu.memory_space<hbm>>
      tpu.wait_dma2 semaphore(%run_scoped3A : memref<!tpu.dma_semaphore, #tpu.memory_space<semaphore_mem>>) src(%dma_wait3A_60 : memref<5120xf32, #tpu.memory_space<hbm>>) dst(%arg13 : memref<5120xf32, #tpu.memory_space<vmem>>)
      tpu.yield
    }) : () -> ()
    %mul3A_37 = arith.constant 5120 : i32
    %mul3A_38 = arith.muli %select_n3A, %mul3A_37 : i32
    "tpu.region"() ({
      %run_scoped3A = tpu.sem_alloc : memref<!tpu.dma_semaphore, #tpu.memory_space<semaphore_mem>>
      %dma_start3A = tpu.memref_slice %arg4[%mul3A_38] : memref<20480xf32, #tpu.memory_space<hbm>> -> memref<5120xf32, #tpu.memory_space<hbm>>
      %dma_start3A_59 = tpu.memref_slice %arg4[%mul3A_38] : memref<20480xf32, #tpu.memory_space<hbm>> -> memref<5120xf32, #tpu.memory_space<hbm>>
      tpu.enqueue_dma source(%dma_start3A_59 : memref<5120xf32, #tpu.memory_space<hbm>>) target(%arg14 : memref<5120xf32, #tpu.memory_space<vmem>>) target_semaphore(%run_scoped3A : memref<!tpu.dma_semaphore, #tpu.memory_space<semaphore_mem>>)
      %dma_wait3A = tpu.memref_slice %arg4[%mul3A_38] : memref<20480xf32, #tpu.memory_space<hbm>> -> memref<5120xf32, #tpu.memory_space<hbm>>
      %dma_wait3A_60 = tpu.memref_slice %arg4[%mul3A_38] : memref<20480xf32, #tpu.memory_space<hbm>> -> memref<5120xf32, #tpu.memory_space<hbm>>
      tpu.wait_dma2 semaphore(%run_scoped3A : memref<!tpu.dma_semaphore, #tpu.memory_space<semaphore_mem>>) src(%dma_wait3A_60 : memref<5120xf32, #tpu.memory_space<hbm>>) dst(%arg14 : memref<5120xf32, #tpu.memory_space<vmem>>)
      tpu.yield
    }) : () -> ()
    %mul3A_39 = arith.constant 5120 : i32
    %mul3A_40 = arith.muli %select_n3A, %mul3A_39 : i32
    "tpu.region"() ({
      %run_scoped3A = tpu.sem_alloc : memref<!tpu.dma_semaphore, #tpu.memory_space<semaphore_mem>>
      %dma_start3A = tpu.memref_slice %arg5[%mul3A_40] : memref<20480xf32, #tpu.memory_space<hbm>> -> memref<5120xf32, #tpu.memory_space<hbm>>
      %dma_start3A_59 = tpu.memref_slice %arg5[%mul3A_40] : memref<20480xf32, #tpu.memory_space<hbm>> -> memref<5120xf32, #tpu.memory_space<hbm>>
      tpu.enqueue_dma source(%dma_start3A_59 : memref<5120xf32, #tpu.memory_space<hbm>>) target(%arg15 : memref<5120xf32, #tpu.memory_space<vmem>>) target_semaphore(%run_scoped3A : memref<!tpu.dma_semaphore, #tpu.memory_space<semaphore_mem>>)
      %dma_wait3A = tpu.memref_slice %arg5[%mul3A_40] : memref<20480xf32, #tpu.memory_space<hbm>> -> memref<5120xf32, #tpu.memory_space<hbm>>
      %dma_wait3A_60 = tpu.memref_slice %arg5[%mul3A_40] : memref<20480xf32, #tpu.memory_space<hbm>> -> memref<5120xf32, #tpu.memory_space<hbm>>
      tpu.wait_dma2 semaphore(%run_scoped3A : memref<!tpu.dma_semaphore, #tpu.memory_space<semaphore_mem>>) src(%dma_wait3A_60 : memref<5120xf32, #tpu.memory_space<hbm>>) dst(%arg15 : memref<5120xf32, #tpu.memory_space<vmem>>)
      tpu.yield
    }) : () -> ()
    %mul3A_41 = arith.constant 5120 : i32
    %mul3A_42 = arith.muli %select_n3A, %mul3A_41 : i32
    "tpu.region"() ({
      %run_scoped3A = tpu.sem_alloc : memref<!tpu.dma_semaphore, #tpu.memory_space<semaphore_mem>>
      %dma_start3A = tpu.memref_slice %arg6[%mul3A_42] : memref<20480xf32, #tpu.memory_space<hbm>> -> memref<5120xf32, #tpu.memory_space<hbm>>
      %dma_start3A_59 = tpu.memref_slice %arg6[%mul3A_42] : memref<20480xf32, #tpu.memory_space<hbm>> -> memref<5120xf32, #tpu.memory_space<hbm>>
      tpu.enqueue_dma source(%dma_start3A_59 : memref<5120xf32, #tpu.memory_space<hbm>>) target(%arg16 : memref<5120xf32, #tpu.memory_space<vmem>>) target_semaphore(%run_scoped3A : memref<!tpu.dma_semaphore, #tpu.memory_space<semaphore_mem>>)
      %dma_wait3A = tpu.memref_slice %arg6[%mul3A_42] : memref<20480xf32, #tpu.memory_space<hbm>> -> memref<5120xf32, #tpu.memory_space<hbm>>
      %dma_wait3A_60 = tpu.memref_slice %arg6[%mul3A_42] : memref<20480xf32, #tpu.memory_space<hbm>> -> memref<5120xf32, #tpu.memory_space<hbm>>
      tpu.wait_dma2 semaphore(%run_scoped3A : memref<!tpu.dma_semaphore, #tpu.memory_space<semaphore_mem>>) src(%dma_wait3A_60 : memref<5120xf32, #tpu.memory_space<hbm>>) dst(%arg16 : memref<5120xf32, #tpu.memory_space<vmem>>)
      tpu.yield
    }) : () -> ()
    %mul3A_43 = arith.constant 5120 : i32
    %mul3A_44 = arith.muli %select_n3A, %mul3A_43 : i32
    "tpu.region"() ({
      %run_scoped3A = tpu.sem_alloc : memref<!tpu.dma_semaphore, #tpu.memory_space<semaphore_mem>>
      %dma_start3A = tpu.memref_slice %arg7[%mul3A_44] : memref<20480xf32, #tpu.memory_space<hbm>> -> memref<5120xf32, #tpu.memory_space<hbm>>
      %dma_start3A_59 = tpu.memref_slice %arg7[%mul3A_44] : memref<20480xf32, #tpu.memory_space<hbm>> -> memref<5120xf32, #tpu.memory_space<hbm>>
      tpu.enqueue_dma source(%dma_start3A_59 : memref<5120xf32, #tpu.memory_space<hbm>>) target(%arg17 : memref<5120xf32, #tpu.memory_space<vmem>>) target_semaphore(%run_scoped3A : memref<!tpu.dma_semaphore, #tpu.memory_space<semaphore_mem>>)
      %dma_wait3A = tpu.memref_slice %arg7[%mul3A_44] : memref<20480xf32, #tpu.memory_space<hbm>> -> memref<5120xf32, #tpu.memory_space<hbm>>
      %dma_wait3A_60 = tpu.memref_slice %arg7[%mul3A_44] : memref<20480xf32, #tpu.memory_space<hbm>> -> memref<5120xf32, #tpu.memory_space<hbm>>
      tpu.wait_dma2 semaphore(%run_scoped3A : memref<!tpu.dma_semaphore, #tpu.memory_space<semaphore_mem>>) src(%dma_wait3A_60 : memref<5120xf32, #tpu.memory_space<hbm>>) dst(%arg17 : memref<5120xf32, #tpu.memory_space<vmem>>)
      tpu.yield
    }) : () -> ()
    %mul3A_45 = arith.constant 640 : i32
    %mul3A_46 = arith.muli %add3A, %mul3A_45 : i32
    "tpu.region"() ({
      %run_scoped3A = tpu.sem_alloc : memref<!tpu.dma_semaphore, #tpu.memory_space<semaphore_mem>>
      %dma_start3A = tpu.memref_slice %arg8[%mul3A_46] : memref<20480xi32, #tpu.memory_space<hbm>> -> memref<640xi32, #tpu.memory_space<hbm>>
      %dma_start3A_59 = tpu.memref_slice %arg8[%mul3A_46] : memref<20480xi32, #tpu.memory_space<hbm>> -> memref<640xi32, #tpu.memory_space<hbm>>
      tpu.enqueue_dma source(%dma_start3A_59 : memref<640xi32, #tpu.memory_space<hbm>>) target(%arg18 : memref<640xi32, #tpu.memory_space<vmem>>) target_semaphore(%run_scoped3A : memref<!tpu.dma_semaphore, #tpu.memory_space<semaphore_mem>>)
      %dma_wait3A = tpu.memref_slice %arg8[%mul3A_46] : memref<20480xi32, #tpu.memory_space<hbm>> -> memref<640xi32, #tpu.memory_space<hbm>>
      %dma_wait3A_60 = tpu.memref_slice %arg8[%mul3A_46] : memref<20480xi32, #tpu.memory_space<hbm>> -> memref<640xi32, #tpu.memory_space<hbm>>
      tpu.wait_dma2 semaphore(%run_scoped3A : memref<!tpu.dma_semaphore, #tpu.memory_space<semaphore_mem>>) src(%dma_wait3A_60 : memref<640xi32, #tpu.memory_space<hbm>>) dst(%arg18 : memref<640xi32, #tpu.memory_space<vmem>>)
      tpu.yield
    }) : () -> ()
    %mul3A_47 = arith.constant 640 : i32
    %mul3A_48 = arith.muli %add3A, %mul3A_47 : i32
    "tpu.region"() ({
      %run_scoped3A = tpu.sem_alloc : memref<!tpu.dma_semaphore, #tpu.memory_space<semaphore_mem>>
      %dma_start3A = tpu.memref_slice %arg9[%mul3A_48] : memref<20480xi32, #tpu.memory_space<hbm>> -> memref<640xi32, #tpu.memory_space<hbm>>
      %dma_start3A_59 = tpu.memref_slice %arg9[%mul3A_48] : memref<20480xi32, #tpu.memory_space<hbm>> -> memref<640xi32, #tpu.memory_space<hbm>>
      tpu.enqueue_dma source(%dma_start3A_59 : memref<640xi32, #tpu.memory_space<hbm>>) target(%arg19 : memref<640xi32, #tpu.memory_space<vmem>>) target_semaphore(%run_scoped3A : memref<!tpu.dma_semaphore, #tpu.memory_space<semaphore_mem>>)
      %dma_wait3A = tpu.memref_slice %arg9[%mul3A_48] : memref<20480xi32, #tpu.memory_space<hbm>> -> memref<640xi32, #tpu.memory_space<hbm>>
      %dma_wait3A_60 = tpu.memref_slice %arg9[%mul3A_48] : memref<20480xi32, #tpu.memory_space<hbm>> -> memref<640xi32, #tpu.memory_space<hbm>>
      tpu.wait_dma2 semaphore(%run_scoped3A : memref<!tpu.dma_semaphore, #tpu.memory_space<semaphore_mem>>) src(%dma_wait3A_60 : memref<640xi32, #tpu.memory_space<hbm>>) dst(%arg19 : memref<640xi32, #tpu.memory_space<vmem>>)
      tpu.yield
    }) : () -> ()
    %scan3A = arith.constant 0 : i32
    %scan3A_49 = arith.constant 0 : i32
    %scan3A_50 = arith.constant 40 : i32
    %scan3A_51 = arith.addi %scan3A_49, %scan3A_50 : i32
    %scan3A_52 = arith.constant 2 : i32
    %scan3A_53 = scf.for %scan3A_59 = %scan3A_49 to %scan3A_51 step %scan3A_52 iter_args(%scan3A_60 = %scan3A) -> (i32)  : i32 {
      %mul3A_61 = arith.constant 16 : i32
      %mul3A_62 = arith.muli %scan3A_59, %mul3A_61 : i32
      %mul3A_63 = arith.constant 16 : i32
      %mul3A_64 = arith.muli %scan3A_59, %mul3A_63 : i32
      %add3A_65 = arith.addi %mul3A_32, %mul3A_64 : i32
      %get3A = arith.index_cast %mul3A_62 : i32 to index
      %get3A_66 = tpu.vector_load %arg18[%get3A] {strides = array<i32>} : memref<640xi32, #tpu.memory_space<vmem>>, vector<16xi32>,
      %gather3A = tpu.vector_load_idx %arg15[%get3A_66] : memref<5120xf32, #tpu.memory_space<vmem>>[vector<16xi32>], vector<16xf32>,
      %gather3A_67 = tpu.vector_load_idx %arg16[%get3A_66] : memref<5120xf32, #tpu.memory_space<vmem>>[vector<16xi32>], vector<16xf32>,
      %gather3A_68 = tpu.vector_load_idx %arg17[%get3A_66] : memref<5120xf32, #tpu.memory_space<vmem>>[vector<16xi32>], vector<16xf32>,
      %get3A_69 = arith.index_cast %add3A_65 : i32 to index
      %get3A_70 = tpu.vector_load %arg12[%get3A_69] {strides = array<i32>} : memref<5120xf32, #tpu.memory_space<vmem>>, vector<16xf32>,
      %sub3A_71 = arith.subf %get3A_70, %gather3A : vector<16xf32>
      %get3A_72 = arith.index_cast %add3A_65 : i32 to index
      %get3A_73 = tpu.vector_load %arg13[%get3A_72] {strides = array<i32>} : memref<5120xf32, #tpu.memory_space<vmem>>, vector<16xf32>,
      %sub3A_74 = arith.subf %get3A_73, %gather3A_67 : vector<16xf32>
      %get3A_75 = arith.index_cast %add3A_65 : i32 to index
      %get3A_76 = tpu.vector_load %arg14[%get3A_75] {strides = array<i32>} : memref<5120xf32, #tpu.memory_space<vmem>>, vector<16xf32>,
      %sub3A_77 = arith.subf %get3A_76, %gather3A_68 : vector<16xf32>
      %mul3A_78 = arith.mulf %sub3A_71, %sub3A_71 : vector<16xf32>
      %mul3A_79 = arith.mulf %sub3A_74, %sub3A_74 : vector<16xf32>
      %add3A_80 = arith.addf %mul3A_78, %mul3A_79 : vector<16xf32>
      %mul3A_81 = arith.mulf %sub3A_77, %sub3A_77 : vector<16xf32>
      %add3A_82 = arith.addf %add3A_80, %mul3A_81 : vector<16xf32>
      %swap3A = arith.index_cast %mul3A_62 : i32 to index
      %swap3A_83 = tpu.vector_load %arg20[%swap3A] {strides = array<i32>} : memref<640xf32, #tpu.memory_space<vmem>>, vector<16xf32>,
      tpu.vector_store %arg20[%swap3A], %add3A_82 {strides = array<i32>} : memref<640xf32, #tpu.memory_space<vmem>>, vector<16xf32>,
      %get3A_84 = arith.index_cast %mul3A_62 : i32 to index
      %get3A_85 = tpu.vector_load %arg19[%get3A_84] {strides = array<i32>} : memref<640xi32, #tpu.memory_space<vmem>>, vector<16xi32>,
      %gather3A_86 = tpu.vector_load_idx %arg12[%get3A_85] : memref<5120xf32, #tpu.memory_space<vmem>>[vector<16xi32>], vector<16xf32>,
      %gather3A_87 = tpu.vector_load_idx %arg13[%get3A_85] : memref<5120xf32, #tpu.memory_space<vmem>>[vector<16xi32>], vector<16xf32>,
      %gather3A_88 = tpu.vector_load_idx %arg14[%get3A_85] : memref<5120xf32, #tpu.memory_space<vmem>>[vector<16xi32>], vector<16xf32>,
      %get3A_89 = arith.index_cast %add3A_65 : i32 to index
      %get3A_90 = tpu.vector_load %arg15[%get3A_89] {strides = array<i32>} : memref<5120xf32, #tpu.memory_space<vmem>>, vector<16xf32>,
      %sub3A_91 = arith.subf %get3A_90, %gather3A_86 : vector<16xf32>
      %get3A_92 = arith.index_cast %add3A_65 : i32 to index
      %get3A_93 = tpu.vector_load %arg16[%get3A_92] {strides = array<i32>} : memref<5120xf32, #tpu.memory_space<vmem>>, vector<16xf32>,
      %sub3A_94 = arith.subf %get3A_93, %gather3A_87 : vector<16xf32>
      %get3A_95 = arith.index_cast %add3A_65 : i32 to index
      %get3A_96 = tpu.vector_load %arg17[%get3A_95] {strides = array<i32>} : memref<5120xf32, #tpu.memory_space<vmem>>, vector<16xf32>,
      %sub3A_97 = arith.subf %get3A_96, %gather3A_88 : vector<16xf32>
      %mul3A_98 = arith.mulf %sub3A_91, %sub3A_91 : vector<16xf32>
      %mul3A_99 = arith.mulf %sub3A_94, %sub3A_94 : vector<16xf32>
      %add3A_100 = arith.addf %mul3A_98, %mul3A_99 : vector<16xf32>
      %mul3A_101 = arith.mulf %sub3A_97, %sub3A_97 : vector<16xf32>
      %add3A_102 = arith.addf %add3A_100, %mul3A_101 : vector<16xf32>
      %swap3A_103 = arith.index_cast %mul3A_62 : i32 to index
      %swap3A_104 = tpu.vector_load %arg21[%swap3A_103] {strides = array<i32>} : memref<640xf32, #tpu.memory_space<vmem>>, vector<16xf32>,
      tpu.vector_store %arg21[%swap3A_103], %add3A_102 {strides = array<i32>} : memref<640xf32, #tpu.memory_space<vmem>>, vector<16xf32>,
      %scan3A_105 = arith.constant 0 : i32
      %scan3A_106 = arith.constant 1 : i32
      %scan3A_107 = arith.addi %scan3A_59, %scan3A_106 : i32
      %mul3A_108 = arith.constant 16 : i32
      %mul3A_109 = arith.muli %scan3A_107, %mul3A_108 : i32
      %mul3A_110 = arith.constant 16 : i32
      %mul3A_111 = arith.muli %scan3A_107, %mul3A_110 : i32
      %add3A_112 = arith.addi %mul3A_32, %mul3A_111 : i32
      %get3A_113 = arith.index_cast %mul3A_109 : i32 to index
      %get3A_114 = tpu.vector_load %arg18[%get3A_113] {strides = array<i32>} : memref<640xi32, #tpu.memory_space<vmem>>, vector<16xi32>,
      %gather3A_115 = tpu.vector_load_idx %arg15[%get3A_114] : memref<5120xf32, #tpu.memory_space<vmem>>[vector<16xi32>], vector<16xf32>,
      %gather3A_116 = tpu.vector_load_idx %arg16[%get3A_114] : memref<5120xf32, #tpu.memory_space<vmem>>[vector<16xi32>], vector<16xf32>,
      %gather3A_117 = tpu.vector_load_idx %arg17[%get3A_114] : memref<5120xf32, #tpu.memory_space<vmem>>[vector<16xi32>], vector<16xf32>,
      %get3A_118 = arith.index_cast %add3A_112 : i32 to index
      %get3A_119 = tpu.vector_load %arg12[%get3A_118] {strides = array<i32>} : memref<5120xf32, #tpu.memory_space<vmem>>, vector<16xf32>,
      %sub3A_120 = arith.subf %get3A_119, %gather3A_115 : vector<16xf32>
      %get3A_121 = arith.index_cast %add3A_112 : i32 to index
      %get3A_122 = tpu.vector_load %arg13[%get3A_121] {strides = array<i32>} : memref<5120xf32, #tpu.memory_space<vmem>>, vector<16xf32>,
      %sub3A_123 = arith.subf %get3A_122, %gather3A_116 : vector<16xf32>
      %get3A_124 = arith.index_cast %add3A_112 : i32 to index
      %get3A_125 = tpu.vector_load %arg14[%get3A_124] {strides = array<i32>} : memref<5120xf32, #tpu.memory_space<vmem>>, vector<16xf32>,
      %sub3A_126 = arith.subf %get3A_125, %gather3A_117 : vector<16xf32>
      %mul3A_127 = arith.mulf %sub3A_120, %sub3A_120 : vector<16xf32>
      %mul3A_128 = arith.mulf %sub3A_123, %sub3A_123 : vector<16xf32>
      %add3A_129 = arith.addf %mul3A_127, %mul3A_128 : vector<16xf32>
      %mul3A_130 = arith.mulf %sub3A_126, %sub3A_126 : vector<16xf32>
      %add3A_131 = arith.addf %add3A_129, %mul3A_130 : vector<16xf32>
      %swap3A_132 = arith.index_cast %mul3A_109 : i32 to index
      %swap3A_133 = tpu.vector_load %arg20[%swap3A_132] {strides = array<i32>} : memref<640xf32, #tpu.memory_space<vmem>>, vector<16xf32>,
      tpu.vector_store %arg20[%swap3A_132], %add3A_131 {strides = array<i32>} : memref<640xf32, #tpu.memory_space<vmem>>, vector<16xf32>,
      %get3A_134 = arith.index_cast %mul3A_109 : i32 to index
      %get3A_135 = tpu.vector_load %arg19[%get3A_134] {strides = array<i32>} : memref<640xi32, #tpu.memory_space<vmem>>, vector<16xi32>,
      %gather3A_136 = tpu.vector_load_idx %arg12[%get3A_135] : memref<5120xf32, #tpu.memory_space<vmem>>[vector<16xi32>], vector<16xf32>,
      %gather3A_137 = tpu.vector_load_idx %arg13[%get3A_135] : memref<5120xf32, #tpu.memory_space<vmem>>[vector<16xi32>], vector<16xf32>,
      %gather3A_138 = tpu.vector_load_idx %arg14[%get3A_135] : memref<5120xf32, #tpu.memory_space<vmem>>[vector<16xi32>], vector<16xf32>,
      %get3A_139 = arith.index_cast %add3A_112 : i32 to index
      %get3A_140 = tpu.vector_load %arg15[%get3A_139] {strides = array<i32>} : memref<5120xf32, #tpu.memory_space<vmem>>, vector<16xf32>,
      %sub3A_141 = arith.subf %get3A_140, %gather3A_136 : vector<16xf32>
      %get3A_142 = arith.index_cast %add3A_112 : i32 to index
      %get3A_143 = tpu.vector_load %arg16[%get3A_142] {strides = array<i32>} : memref<5120xf32, #tpu.memory_space<vmem>>, vector<16xf32>,
      %sub3A_144 = arith.subf %get3A_143, %gather3A_137 : vector<16xf32>
      %get3A_145 = arith.index_cast %add3A_112 : i32 to index
      %get3A_146 = tpu.vector_load %arg17[%get3A_145] {strides = array<i32>} : memref<5120xf32, #tpu.memory_space<vmem>>, vector<16xf32>,
      %sub3A_147 = arith.subf %get3A_146, %gather3A_138 : vector<16xf32>
      %mul3A_148 = arith.mulf %sub3A_141, %sub3A_141 : vector<16xf32>
      %mul3A_149 = arith.mulf %sub3A_144, %sub3A_144 : vector<16xf32>
      %add3A_150 = arith.addf %mul3A_148, %mul3A_149 : vector<16xf32>
      %mul3A_151 = arith.mulf %sub3A_147, %sub3A_147 : vector<16xf32>
      %add3A_152 = arith.addf %add3A_150, %mul3A_151 : vector<16xf32>
      %swap3A_153 = arith.index_cast %mul3A_109 : i32 to index
      %swap3A_154 = tpu.vector_load %arg21[%swap3A_153] {strides = array<i32>} : memref<640xf32, #tpu.memory_space<vmem>>, vector<16xf32>,
      tpu.vector_store %arg21[%swap3A_153], %add3A_152 {strides = array<i32>} : memref<640xf32, #tpu.memory_space<vmem>>, vector<16xf32>,
      %scan3A_155 = arith.constant 0 : i32
      scf.yield %scan3A_155 : i32
    }
    %scan3A_54 = arith.constant 40 : i32
    %mul3A_55 = arith.constant 640 : i32
    %mul3A_56 = arith.muli %add3A, %mul3A_55 : i32
    "tpu.region"() ({
      %run_scoped3A = tpu.sem_alloc : memref<!tpu.dma_semaphore, #tpu.memory_space<semaphore_mem>>
      %dma_start3A = tpu.memref_slice %arg10[%mul3A_56] : memref<20480xf32, #tpu.memory_space<hbm>> -> memref<640xf32, #tpu.memory_space<hbm>>
      %dma_start3A_59 = tpu.memref_slice %arg10[%mul3A_56] : memref<20480xf32, #tpu.memory_space<hbm>> -> memref<640xf32, #tpu.memory_space<hbm>>
      tpu.enqueue_dma source(%arg20 : memref<640xf32, #tpu.memory_space<vmem>>) target(%dma_start3A_59 : memref<640xf32, #tpu.memory_space<hbm>>) target_semaphore(%run_scoped3A : memref<!tpu.dma_semaphore, #tpu.memory_space<semaphore_mem>>)
      %dma_wait3A = tpu.memref_slice %arg10[%mul3A_56] : memref<20480xf32, #tpu.memory_space<hbm>> -> memref<640xf32, #tpu.memory_space<hbm>>
      %dma_wait3A_60 = tpu.memref_slice %arg10[%mul3A_56] : memref<20480xf32, #tpu.memory_space<hbm>> -> memref<640xf32, #tpu.memory_space<hbm>>
      tpu.wait_dma2 semaphore(%run_scoped3A : memref<!tpu.dma_semaphore, #tpu.memory_space<semaphore_mem>>) src(%arg20 : memref<640xf32, #tpu.memory_space<vmem>>) dst(%dma_wait3A_60 : memref<640xf32, #tpu.memory_space<hbm>>)
      tpu.yield
    }) : () -> ()
    %mul3A_57 = arith.constant 640 : i32
    %mul3A_58 = arith.muli %add3A, %mul3A_57 : i32
    "tpu.region"() ({
      %run_scoped3A = tpu.sem_alloc : memref<!tpu.dma_semaphore, #tpu.memory_space<semaphore_mem>>
      %dma_start3A = tpu.memref_slice %arg11[%mul3A_58] : memref<20480xf32, #tpu.memory_space<hbm>> -> memref<640xf32, #tpu.memory_space<hbm>>
      %dma_start3A_59 = tpu.memref_slice %arg11[%mul3A_58] : memref<20480xf32, #tpu.memory_space<hbm>> -> memref<640xf32, #tpu.memory_space<hbm>>
      tpu.enqueue_dma source(%arg21 : memref<640xf32, #tpu.memory_space<vmem>>) target(%dma_start3A_59 : memref<640xf32, #tpu.memory_space<hbm>>) target_semaphore(%run_scoped3A : memref<!tpu.dma_semaphore, #tpu.memory_space<semaphore_mem>>)
      %dma_wait3A = tpu.memref_slice %arg11[%mul3A_58] : memref<20480xf32, #tpu.memory_space<hbm>> -> memref<640xf32, #tpu.memory_space<hbm>>
      %dma_wait3A_60 = tpu.memref_slice %arg11[%mul3A_58] : memref<20480xf32, #tpu.memory_space<hbm>> -> memref<640xf32, #tpu.memory_space<hbm>>
      tpu.wait_dma2 semaphore(%run_scoped3A : memref<!tpu.dma_semaphore, #tpu.memory_space<semaphore_mem>>) src(%arg21 : memref<640xf32, #tpu.memory_space<vmem>>) dst(%dma_wait3A_60 : memref<640xf32, #tpu.memory_space<hbm>>)
      tpu.yield
    }) : () -> ()
    return
  }
}

module attributes {stable_mosaic.version = 14 : i64} {
  func.func @_chamfer_body(%arg0: i32, %arg1: i32, %arg2: memref<1x8x1024xbf16, #tpu.memory_space<vmem>>, %arg3: memref<1x8x5120xbf16, #tpu.memory_space<vmem>>, %arg4: memref<1x1024x1xf32, #tpu.memory_space<vmem>>, %arg5: memref<1x1x5120xf32, #tpu.memory_space<vmem>>, %arg6: memref<1x1024x1xi32, #tpu.memory_space<vmem>>, %arg7: memref<1x1x1x5120xf32, #tpu.memory_space<vmem>>, %arg8: memref<1x1x1x5120xi32, #tpu.memory_space<vmem>>) attributes {dimension_semantics = [#tpu.dimension_semantics<arbitrary>, #tpu.dimension_semantics<arbitrary>], iteration_bounds = array<i64: 4, 5>, scalar_prefetch = 0 : i64, scratch_operands = 0 : i64, tpu.core_type = #tpu.core_type<tc>, window_params = [{transform_indices = @transform_0, window_bounds = array<i64: 1, 8, 1024>}, {transform_indices = @transform_1, window_bounds = array<i64: 1, 8, 5120>}, {transform_indices = @transform_2, window_bounds = array<i64: 1, 1024, 1>}, {transform_indices = @transform_3, window_bounds = array<i64: 1, 1, 5120>}, {transform_indices = @transform_4, window_bounds = array<i64: 1, 1024, 1>}, {transform_indices = @transform_5, window_bounds = array<i64: 1, 1, 1, 5120>}, {transform_indices = @transform_6, window_bounds = array<i64: 1, 1, 1, 5120>}]} {
    %get3A = arith.constant 0 : index
    %get3A_0 = arith.constant 0 : index
    %get3A_1 = arith.constant 0 : index
    %get3A_2 = vector.load %arg2[%get3A, %get3A_0, %get3A_1] : memref<1x8x1024xbf16, #tpu.memory_space<vmem>>, vector<1x8x1024xbf16>
    %get3A_3 = vector.shape_cast %get3A_2 : vector<1x8x1024xbf16> to vector<8x1024xbf16>
    %get3A_4 = arith.constant 0 : index
    %get3A_5 = arith.constant 0 : index
    %get3A_6 = arith.constant 0 : index
    %get3A_7 = vector.load %arg3[%get3A_4, %get3A_5, %get3A_6] : memref<1x8x5120xbf16, #tpu.memory_space<vmem>>, vector<1x8x5120xbf16>
    %get3A_8 = vector.shape_cast %get3A_7 : vector<1x8x5120xbf16> to vector<8x5120xbf16>
    %get3A_9 = arith.constant 0 : index
    %get3A_10 = arith.constant 0 : index
    %get3A_11 = arith.constant 0 : index
    %get3A_12 = vector.load %arg4[%get3A_9, %get3A_10, %get3A_11] : memref<1x1024x1xf32, #tpu.memory_space<vmem>>, vector<1x1024x1xf32>
    %get3A_13 = vector.shape_cast %get3A_12 : vector<1x1024x1xf32> to vector<1024x1xf32>
    %get3A_14 = arith.constant 0 : index
    %get3A_15 = arith.constant 0 : index
    %get3A_16 = arith.constant 0 : index
    %get3A_17 = vector.load %arg5[%get3A_14, %get3A_15, %get3A_16] : memref<1x1x5120xf32, #tpu.memory_space<vmem>>, vector<1x1x5120xf32>
    %get3A_18 = vector.shape_cast %get3A_17 : vector<1x1x5120xf32> to vector<1x5120xf32>
    %dot_general3A = arith.constant dense<0.000000e+00> : vector<1024x5120xf32>
    %dot_general3A_19 = tpu.matmul %get3A_3, %get3A_8, %dot_general3A {dimension_numbers = #tpu.dot_dimension_numbers<[0], [0], [1], [1], [0, 1, 1, 1], [], []>, transpose_lhs_hint = false} : vector<8x1024xbf16>, vector<8x5120xbf16>, vector<1024x5120xf32> -> vector<1024x5120xf32>
    %add3A = vector.broadcast %get3A_18 : vector<1x5120xf32> to vector<1024x5120xf32>
    %add3A_20 = arith.addf %dot_general3A_19, %add3A : vector<1024x5120xf32>
    %iota3A = tpu.iota {dimensions = array<i32: 1>} : vector<1024x5120xi32>
    %reduce_max3A = arith.constant dense<0xFF800000> : vector<1024xf32>
    %reduce_max3A_21 = vector.multi_reduction <maximumf>, %add3A_20, %reduce_max3A [1] : vector<1024x5120xf32> to vector<1024xf32>
    %broadcast_in_dim3A = vector.shape_cast %reduce_max3A_21 : vector<1024xf32> to vector<1024x1xf32>
    %eq3A = vector.broadcast %broadcast_in_dim3A : vector<1024x1xf32> to vector<1024x5120xf32>
    %eq3A_22 = arith.cmpf oeq, %add3A_20, %eq3A : vector<1024x5120xf32>
    %jit3A = arith.constant 1073741824 : i32
    %broadcast_in_dim3A_23 = vector.broadcast %jit3A : i32 to vector<1024x5120xi32>
    %select_n3A = arith.select %eq3A_22, %iota3A, %broadcast_in_dim3A_23 : vector<1024x5120xi1>, vector<1024x5120xi32>
    %reduce_min3A = arith.constant dense<2147483647> : vector<1024xi32>
    %reduce_min3A_24 = vector.multi_reduction <minsi>, %select_n3A, %reduce_min3A [1] : vector<1024x5120xi32> to vector<1024xi32>
    %broadcast_in_dim3A_25 = vector.shape_cast %reduce_min3A_24 : vector<1024xi32> to vector<1024x1xi32>
    %swap3A = arith.constant 0 : index
    %swap3A_26 = arith.constant 0 : index
    %swap3A_27 = arith.constant 0 : index
    %swap3A_28 = vector.load %arg6[%swap3A, %swap3A_26, %swap3A_27] : memref<1x1024x1xi32, #tpu.memory_space<vmem>>, vector<1x1024x1xi32>
    %swap3A_29 = vector.shape_cast %swap3A_28 : vector<1x1024x1xi32> to vector<1024x1xi32>
    %swap3A_30 = vector.shape_cast %broadcast_in_dim3A_25 : vector<1024x1xi32> to vector<1x1024x1xi32>
    tpu.vector_store %arg6[%swap3A, %swap3A_26, %swap3A_27], %swap3A_30 {strides = array<i32>} : memref<1x1024x1xi32, #tpu.memory_space<vmem>>, vector<1x1024x1xi32>,
    %add3A_31 = vector.broadcast %get3A_13 : vector<1024x1xf32> to vector<1024x5120xf32>
    %add3A_32 = arith.addf %dot_general3A_19, %add3A_31 : vector<1024x5120xf32>
    %iota3A_33 = tpu.iota {dimensions = array<i32: 0>} : vector<1024x5120xi32>
    %mul3A = arith.constant 1024 : i32
    %mul3A_34 = arith.muli %arg1, %mul3A : i32
    %add3A_35 = vector.broadcast %mul3A_34 : i32 to vector<1024x5120xi32>
    %add3A_36 = arith.addi %iota3A_33, %add3A_35 : vector<1024x5120xi32>
    %reduce_max3A_37 = arith.constant dense<0xFF800000> : vector<5120xf32>
    %reduce_max3A_38 = vector.multi_reduction <maximumf>, %add3A_32, %reduce_max3A_37 [0] : vector<1024x5120xf32> to vector<5120xf32>
    %broadcast_in_dim3A_39 = vector.shape_cast %reduce_max3A_38 : vector<5120xf32> to vector<1x5120xf32>
    %swap3A_40 = arith.constant 0 : index
    %swap3A_41 = arith.constant 0 : index
    %swap3A_42 = arith.constant 0 : index
    %swap3A_43 = arith.constant 0 : index
    %swap3A_44 = vector.load %arg7[%swap3A_40, %swap3A_41, %swap3A_42, %swap3A_43] : memref<1x1x1x5120xf32, #tpu.memory_space<vmem>>, vector<1x1x1x5120xf32>
    %swap3A_45 = vector.shape_cast %swap3A_44 : vector<1x1x1x5120xf32> to vector<1x5120xf32>
    %swap3A_46 = vector.shape_cast %broadcast_in_dim3A_39 : vector<1x5120xf32> to vector<1x1x1x5120xf32>
    tpu.vector_store %arg7[%swap3A_40, %swap3A_41, %swap3A_42, %swap3A_43], %swap3A_46 {strides = array<i32>} : memref<1x1x1x5120xf32, #tpu.memory_space<vmem>>, vector<1x1x1x5120xf32>,
    %eq3A_47 = vector.broadcast %broadcast_in_dim3A_39 : vector<1x5120xf32> to vector<1024x5120xf32>
    %eq3A_48 = arith.cmpf oeq, %add3A_32, %eq3A_47 : vector<1024x5120xf32>
    %jit3A_49 = arith.constant 1073741824 : i32
    %broadcast_in_dim3A_50 = vector.broadcast %jit3A_49 : i32 to vector<1024x5120xi32>
    %select_n3A_51 = arith.select %eq3A_48, %add3A_36, %broadcast_in_dim3A_50 : vector<1024x5120xi1>, vector<1024x5120xi32>
    %reduce_min3A_52 = arith.constant dense<2147483647> : vector<5120xi32>
    %reduce_min3A_53 = vector.multi_reduction <minsi>, %select_n3A_51, %reduce_min3A_52 [0] : vector<1024x5120xi32> to vector<5120xi32>
    %broadcast_in_dim3A_54 = vector.shape_cast %reduce_min3A_53 : vector<5120xi32> to vector<1x5120xi32>
    %swap3A_55 = arith.constant 0 : index
    %swap3A_56 = arith.constant 0 : index
    %swap3A_57 = arith.constant 0 : index
    %swap3A_58 = arith.constant 0 : index
    %swap3A_59 = vector.load %arg8[%swap3A_55, %swap3A_56, %swap3A_57, %swap3A_58] : memref<1x1x1x5120xi32, #tpu.memory_space<vmem>>, vector<1x1x1x5120xi32>
    %swap3A_60 = vector.shape_cast %swap3A_59 : vector<1x1x1x5120xi32> to vector<1x5120xi32>
    %swap3A_61 = vector.shape_cast %broadcast_in_dim3A_54 : vector<1x5120xi32> to vector<1x1x1x5120xi32>
    tpu.vector_store %arg8[%swap3A_55, %swap3A_56, %swap3A_57, %swap3A_58], %swap3A_61 {strides = array<i32>} : memref<1x1x1x5120xi32, #tpu.memory_space<vmem>>, vector<1x1x1x5120xi32>,
    return
  }
  func.func @transform_0(%arg0: i32, %arg1: i32) -> (i32, i32, i32) {
    %c0_i32 = arith.constant 0 : i32
    %c0_i32_0 = arith.constant 0 : i32
    return %arg0, %c0_i32, %arg1 : i32, i32, i32
  }
  func.func @transform_1(%arg0: i32, %arg1: i32) -> (i32, i32, i32) {
    %c0_i32 = arith.constant 0 : i32
    %c0_i32_0 = arith.constant 0 : i32
    %c0_i32_1 = arith.constant 0 : i32
    return %arg0, %c0_i32, %c0_i32_0 : i32, i32, i32
  }
  func.func @transform_2(%arg0: i32, %arg1: i32) -> (i32, i32, i32) {
    %c0_i32 = arith.constant 0 : i32
    %c0_i32_0 = arith.constant 0 : i32
    return %arg0, %arg1, %c0_i32 : i32, i32, i32
  }
  func.func @transform_3(%arg0: i32, %arg1: i32) -> (i32, i32, i32) {
    %c0_i32 = arith.constant 0 : i32
    %c0_i32_0 = arith.constant 0 : i32
    %c0_i32_1 = arith.constant 0 : i32
    return %arg0, %c0_i32, %c0_i32_0 : i32, i32, i32
  }
  func.func @transform_4(%arg0: i32, %arg1: i32) -> (i32, i32, i32) {
    %c0_i32 = arith.constant 0 : i32
    %c0_i32_0 = arith.constant 0 : i32
    return %arg0, %arg1, %c0_i32 : i32, i32, i32
  }
  func.func @transform_5(%arg0: i32, %arg1: i32) -> (i32, i32, i32, i32) {
    %c0_i32 = arith.constant 0 : i32
    %c0_i32_0 = arith.constant 0 : i32
    %c0_i32_1 = arith.constant 0 : i32
    return %arg0, %arg1, %c0_i32, %c0_i32_0 : i32, i32, i32, i32
  }
  func.func @transform_6(%arg0: i32, %arg1: i32) -> (i32, i32, i32, i32) {
    %c0_i32 = arith.constant 0 : i32
    %c0_i32_0 = arith.constant 0 : i32
    %c0_i32_1 = arith.constant 0 : i32
    return %arg0, %arg1, %c0_i32, %c0_i32_0 : i32, i32, i32, i32
  }
}

module attributes {stable_mosaic.version = 14 : i64} {
  func.func @_norms_body(%arg0: i32, %arg1: memref<1x5120x8xf32, #tpu.memory_space<vmem>>, %arg2: memref<1x8x5120xf32, #tpu.memory_space<vmem>>, %arg3: memref<1x5120x1xf32, #tpu.memory_space<vmem>>, %arg4: memref<1x1x5120xf32, #tpu.memory_space<vmem>>) attributes {dimension_semantics = [#tpu.dimension_semantics<arbitrary>], iteration_bounds = array<i64: 4>, scalar_prefetch = 0 : i64, scratch_operands = 0 : i64, tpu.core_type = #tpu.core_type<tc>, window_params = [{transform_indices = @transform_0, window_bounds = array<i64: 1, 5120, 8>}, {transform_indices = @transform_1, window_bounds = array<i64: 1, 8, 5120>}, {transform_indices = @transform_2, window_bounds = array<i64: 1, 5120, 1>}, {transform_indices = @transform_3, window_bounds = array<i64: 1, 1, 5120>}]} {
    %get3A = arith.constant 0 : index
    %get3A_0 = arith.constant 0 : index
    %get3A_1 = arith.constant 0 : index
    %get3A_2 = vector.load %arg1[%get3A, %get3A_0, %get3A_1] : memref<1x5120x8xf32, #tpu.memory_space<vmem>>, vector<1x5120x8xf32>
    %get3A_3 = vector.shape_cast %get3A_2 : vector<1x5120x8xf32> to vector<5120x8xf32>
    %get3A_4 = arith.constant 0 : index
    %get3A_5 = arith.constant 0 : index
    %get3A_6 = arith.constant 0 : index
    %get3A_7 = vector.load %arg2[%get3A_4, %get3A_5, %get3A_6] : memref<1x8x5120xf32, #tpu.memory_space<vmem>>, vector<1x8x5120xf32>
    %get3A_8 = vector.shape_cast %get3A_7 : vector<1x8x5120xf32> to vector<8x5120xf32>
    %mul3A = arith.mulf %get3A_3, %get3A_3 : vector<5120x8xf32>
    %reduce_sum3A = arith.constant dense<0.000000e+00> : vector<5120xf32>
    %reduce_sum3A_9 = vector.multi_reduction <add>, %mul3A, %reduce_sum3A [1] : vector<5120x8xf32> to vector<5120xf32>
    %broadcast_in_dim3A = vector.shape_cast %reduce_sum3A_9 : vector<5120xf32> to vector<5120x1xf32>
    %mul3A_10 = arith.constant -5.000000e-01 : f32
    %mul3A_11 = vector.broadcast %mul3A_10 : f32 to vector<5120x1xf32>
    %mul3A_12 = arith.mulf %mul3A_11, %broadcast_in_dim3A : vector<5120x1xf32>
    %swap3A = arith.constant 0 : index
    %swap3A_13 = arith.constant 0 : index
    %swap3A_14 = arith.constant 0 : index
    %swap3A_15 = vector.load %arg3[%swap3A, %swap3A_13, %swap3A_14] : memref<1x5120x1xf32, #tpu.memory_space<vmem>>, vector<1x5120x1xf32>
    %swap3A_16 = vector.shape_cast %swap3A_15 : vector<1x5120x1xf32> to vector<5120x1xf32>
    %swap3A_17 = vector.shape_cast %mul3A_12 : vector<5120x1xf32> to vector<1x5120x1xf32>
    tpu.vector_store %arg3[%swap3A, %swap3A_13, %swap3A_14], %swap3A_17 {strides = array<i32>} : memref<1x5120x1xf32, #tpu.memory_space<vmem>>, vector<1x5120x1xf32>,
    %mul3A_18 = arith.mulf %get3A_8, %get3A_8 : vector<8x5120xf32>
    %reduce_sum3A_19 = arith.constant dense<0.000000e+00> : vector<5120xf32>
    %reduce_sum3A_20 = vector.multi_reduction <add>, %mul3A_18, %reduce_sum3A_19 [0] : vector<8x5120xf32> to vector<5120xf32>
    %broadcast_in_dim3A_21 = vector.shape_cast %reduce_sum3A_20 : vector<5120xf32> to vector<1x5120xf32>
    %mul3A_22 = arith.constant -5.000000e-01 : f32
    %mul3A_23 = vector.broadcast %mul3A_22 : f32 to vector<1x5120xf32>
    %mul3A_24 = arith.mulf %mul3A_23, %broadcast_in_dim3A_21 : vector<1x5120xf32>
    %swap3A_25 = arith.constant 0 : index
    %swap3A_26 = arith.constant 0 : index
    %swap3A_27 = arith.constant 0 : index
    %swap3A_28 = vector.load %arg4[%swap3A_25, %swap3A_26, %swap3A_27] : memref<1x1x5120xf32, #tpu.memory_space<vmem>>, vector<1x1x5120xf32>
    %swap3A_29 = vector.shape_cast %swap3A_28 : vector<1x1x5120xf32> to vector<1x5120xf32>
    %swap3A_30 = vector.shape_cast %mul3A_24 : vector<1x5120xf32> to vector<1x1x5120xf32>
    tpu.vector_store %arg4[%swap3A_25, %swap3A_26, %swap3A_27], %swap3A_30 {strides = array<i32>} : memref<1x1x5120xf32, #tpu.memory_space<vmem>>, vector<1x1x5120xf32>,
    return
  }
  func.func @transform_0(%arg0: i32) -> (i32, i32, i32) {
    %c0_i32 = arith.constant 0 : i32
    %c0_i32_0 = arith.constant 0 : i32
    %c0_i32_1 = arith.constant 0 : i32
    return %arg0, %c0_i32, %c0_i32_0 : i32, i32, i32
  }
  func.func @transform_1(%arg0: i32) -> (i32, i32, i32) {
    %c0_i32 = arith.constant 0 : i32
    %c0_i32_0 = arith.constant 0 : i32
    %c0_i32_1 = arith.constant 0 : i32
    return %arg0, %c0_i32, %c0_i32_0 : i32, i32, i32
  }
  func.func @transform_2(%arg0: i32) -> (i32, i32, i32) {
    %c0_i32 = arith.constant 0 : i32
    %c0_i32_0 = arith.constant 0 : i32
    %c0_i32_1 = arith.constant 0 : i32
    return %arg0, %c0_i32, %c0_i32_0 : i32, i32, i32
  }
  func.func @transform_3(%arg0: i32) -> (i32, i32, i32) {
    %c0_i32 = arith.constant 0 : i32
    %c0_i32_0 = arith.constant 0 : i32
    %c0_i32_1 = arith.constant 0 : i32
    return %arg0, %c0_i32, %c0_i32_0 : i32, i32, i32
  }
}

module attributes {stable_mosaic.version = 14 : i64} {
  func.func @_select_body(%arg0: memref<4x5x5120xf32, #tpu.memory_space<vmem>>, %arg1: memref<4x5x5120xi32, #tpu.memory_space<vmem>>, %arg2: memref<4x5120xi32, #tpu.memory_space<vmem>>) attributes {dimension_semantics = [], scalar_prefetch = 0 : i64, scratch_operands = 0 : i64, tpu.core_type = #tpu.core_type<tc>} {
    %get3A = arith.constant 0 : index
    %get3A_0 = arith.constant 0 : index
    %get3A_1 = arith.constant 0 : index
    %get3A_2 = vector.load %arg0[%get3A, %get3A_0, %get3A_1] : memref<4x5x5120xf32, #tpu.memory_space<vmem>>, vector<4x5x5120xf32>
    %get3A_3 = arith.constant 0 : index
    %get3A_4 = arith.constant 0 : index
    %get3A_5 = arith.constant 0 : index
    %get3A_6 = vector.load %arg1[%get3A_3, %get3A_4, %get3A_5] : memref<4x5x5120xi32, #tpu.memory_space<vmem>>, vector<4x5x5120xi32>
    %reduce_max3A = arith.constant dense<0xFF800000> : vector<4x5120xf32>
    %reduce_max3A_7 = vector.multi_reduction <maximumf>, %get3A_2, %reduce_max3A [1] : vector<4x5x5120xf32> to vector<4x5120xf32>
    %broadcast_in_dim3A = vector.shape_cast %reduce_max3A_7 : vector<4x5120xf32> to vector<4x1x5120xf32>
    %eq3A = vector.broadcast %broadcast_in_dim3A : vector<4x1x5120xf32> to vector<4x5x5120xf32>
    %eq3A_8 = arith.cmpf oeq, %get3A_2, %eq3A : vector<4x5x5120xf32>
    %jit3A = arith.constant 1073741824 : i32
    %broadcast_in_dim3A_9 = vector.broadcast %jit3A : i32 to vector<4x5x5120xi32>
    %select_n3A = arith.select %eq3A_8, %get3A_6, %broadcast_in_dim3A_9 : vector<4x5x5120xi1>, vector<4x5x5120xi32>
    %reduce_min3A = arith.constant dense<2147483647> : vector<4x5120xi32>
    %reduce_min3A_10 = vector.multi_reduction <minsi>, %select_n3A, %reduce_min3A [1] : vector<4x5x5120xi32> to vector<4x5120xi32>
    %swap3A = arith.constant 0 : index
    %swap3A_11 = arith.constant 0 : index
    %swap3A_12 = vector.load %arg2[%swap3A, %swap3A_11] : memref<4x5120xi32, #tpu.memory_space<vmem>>, vector<4x5120xi32>
    tpu.vector_store %arg2[%swap3A, %swap3A_11], %reduce_min3A_10 {strides = array<i32>} : memref<4x5120xi32, #tpu.memory_space<vmem>>, vector<4x5120xi32>,
    return
  }
}

module attributes {stable_mosaic.version = 14 : i64} {
  func.func @_finalize_body(%arg0: memref<4x5120xf32, #tpu.memory_space<vmem>>, %arg1: memref<4x5120xf32, #tpu.memory_space<vmem>>, %arg2: memref<2x4xf32, #tpu.memory_space<vmem>>) attributes {dimension_semantics = [], scalar_prefetch = 0 : i64, scratch_operands = 0 : i64, tpu.core_type = #tpu.core_type<tc>} {
    %get3A = arith.constant 0 : index
    %get3A_0 = arith.constant 0 : index
    %get3A_1 = vector.load %arg0[%get3A, %get3A_0] : memref<4x5120xf32, #tpu.memory_space<vmem>>, vector<4x5120xf32>
    %iota3A = tpu.iota {dimensions = array<i32: 1>} : vector<4x5120xi32>
    %lt3A = arith.constant 5000 : i32
    %lt3A_2 = vector.broadcast %lt3A : i32 to vector<4x5120xi32>
    %lt3A_3 = arith.cmpi slt, %iota3A, %lt3A_2 : vector<4x5120xi32>
    %max3A = arith.constant 9.99999996E-13 : f32
    %max3A_4 = vector.broadcast %max3A : f32 to vector<4x5120xf32>
    %max3A_5 = arith.maximumf %get3A_1, %max3A_4 : vector<4x5120xf32>
    %sqrt3A = math.sqrt %max3A_5 : vector<4x5120xf32>
    %jit3A = arith.constant 0.000000e+00 : f32
    %broadcast_in_dim3A = vector.broadcast %jit3A : f32 to vector<4x5120xf32>
    %select_n3A = arith.select %lt3A_3, %sqrt3A, %broadcast_in_dim3A : vector<4x5120xi1>, vector<4x5120xf32>
    %reduce_sum3A = arith.constant dense<0.000000e+00> : vector<4xf32>
    %reduce_sum3A_6 = vector.multi_reduction <add>, %select_n3A, %reduce_sum3A [1] : vector<4x5120xf32> to vector<4xf32>
    %div3A = arith.constant 5.000000e+03 : f32
    %div3A_7 = vector.broadcast %div3A : f32 to vector<4xf32>
    %div3A_8 = arith.divf %reduce_sum3A_6, %div3A_7 : vector<4xf32>
    %lt3A_9 = arith.constant 1.000000e-01 : f32
    %lt3A_10 = vector.broadcast %lt3A_9 : f32 to vector<4x5120xf32>
    %lt3A_11 = arith.cmpf olt, %sqrt3A, %lt3A_10 : vector<4x5120xf32>
    %and3A = arith.andi %lt3A_3, %lt3A_11 : vector<4x5120xi1>
    %jit3A_12 = arith.constant 1.000000e+00 : f32
    %jit3A_13 = arith.constant 0.000000e+00 : f32
    %broadcast_in_dim3A_14 = vector.broadcast %jit3A_12 : f32 to vector<4x5120xf32>
    %broadcast_in_dim3A_15 = vector.broadcast %jit3A_13 : f32 to vector<4x5120xf32>
    %select_n3A_16 = arith.select %and3A, %broadcast_in_dim3A_14, %broadcast_in_dim3A_15 : vector<4x5120xi1>, vector<4x5120xf32>
    %reduce_sum3A_17 = arith.constant dense<0.000000e+00> : vector<4xf32>
    %reduce_sum3A_18 = vector.multi_reduction <add>, %select_n3A_16, %reduce_sum3A_17 [1] : vector<4x5120xf32> to vector<4xf32>
    %div3A_19 = arith.constant 5.000000e+03 : f32
    %div3A_20 = vector.broadcast %div3A_19 : f32 to vector<4xf32>
    %div3A_21 = arith.divf %reduce_sum3A_18, %div3A_20 : vector<4xf32>
    %get3A_22 = arith.constant 0 : index
    %get3A_23 = arith.constant 0 : index
    %get3A_24 = vector.load %arg1[%get3A_22, %get3A_23] : memref<4x5120xf32, #tpu.memory_space<vmem>>, vector<4x5120xf32>
    %iota3A_25 = tpu.iota {dimensions = array<i32: 1>} : vector<4x5120xi32>
    %lt3A_26 = arith.constant 5000 : i32
    %lt3A_27 = vector.broadcast %lt3A_26 : i32 to vector<4x5120xi32>
    %lt3A_28 = arith.cmpi slt, %iota3A_25, %lt3A_27 : vector<4x5120xi32>
    %max3A_29 = arith.constant 9.99999996E-13 : f32
    %max3A_30 = vector.broadcast %max3A_29 : f32 to vector<4x5120xf32>
    %max3A_31 = arith.maximumf %get3A_24, %max3A_30 : vector<4x5120xf32>
    %sqrt3A_32 = math.sqrt %max3A_31 : vector<4x5120xf32>
    %jit3A_33 = arith.constant 0.000000e+00 : f32
    %broadcast_in_dim3A_34 = vector.broadcast %jit3A_33 : f32 to vector<4x5120xf32>
    %select_n3A_35 = arith.select %lt3A_28, %sqrt3A_32, %broadcast_in_dim3A_34 : vector<4x5120xi1>, vector<4x5120xf32>
    %reduce_sum3A_36 = arith.constant dense<0.000000e+00> : vector<4xf32>
    %reduce_sum3A_37 = vector.multi_reduction <add>, %select_n3A_35, %reduce_sum3A_36 [1] : vector<4x5120xf32> to vector<4xf32>
    %div3A_38 = arith.constant 5.000000e+03 : f32
    %div3A_39 = vector.broadcast %div3A_38 : f32 to vector<4xf32>
    %div3A_40 = arith.divf %reduce_sum3A_37, %div3A_39 : vector<4xf32>
    %lt3A_41 = arith.constant 1.000000e-01 : f32
    %lt3A_42 = vector.broadcast %lt3A_41 : f32 to vector<4x5120xf32>
    %lt3A_43 = arith.cmpf olt, %sqrt3A_32, %lt3A_42 : vector<4x5120xf32>
    %and3A_44 = arith.andi %lt3A_28, %lt3A_43 : vector<4x5120xi1>
    %jit3A_45 = arith.constant 1.000000e+00 : f32
    %jit3A_46 = arith.constant 0.000000e+00 : f32
    %broadcast_in_dim3A_47 = vector.broadcast %jit3A_45 : f32 to vector<4x5120xf32>
    %broadcast_in_dim3A_48 = vector.broadcast %jit3A_46 : f32 to vector<4x5120xf32>
    %select_n3A_49 = arith.select %and3A_44, %broadcast_in_dim3A_47, %broadcast_in_dim3A_48 : vector<4x5120xi1>, vector<4x5120xf32>
    %reduce_sum3A_50 = arith.constant dense<0.000000e+00> : vector<4xf32>
    %reduce_sum3A_51 = vector.multi_reduction <add>, %select_n3A_49, %reduce_sum3A_50 [1] : vector<4x5120xf32> to vector<4xf32>
    %div3A_52 = arith.constant 5.000000e+03 : f32
    %div3A_53 = vector.broadcast %div3A_52 : f32 to vector<4xf32>
    %div3A_54 = arith.divf %reduce_sum3A_51, %div3A_53 : vector<4xf32>
    %add3A = arith.addf %div3A_8, %div3A_40 : vector<4xf32>
    %div3A_55 = arith.constant 2.000000e+00 : f32
    %div3A_56 = vector.broadcast %div3A_55 : f32 to vector<4xf32>
    %div3A_57 = arith.divf %add3A, %div3A_56 : vector<4xf32>
    %mul3A = arith.constant 2.000000e+00 : f32
    %mul3A_58 = vector.broadcast %mul3A : f32 to vector<4xf32>
    %mul3A_59 = arith.mulf %mul3A_58, %div3A_21 : vector<4xf32>
    %mul3A_60 = arith.mulf %mul3A_59, %div3A_54 : vector<4xf32>
    %add3A_61 = arith.addf %div3A_21, %div3A_54 : vector<4xf32>
    %add3A_62 = arith.constant 9.99999993E-9 : f32
    %add3A_63 = vector.broadcast %add3A_62 : f32 to vector<4xf32>
    %add3A_64 = arith.addf %add3A_61, %add3A_63 : vector<4xf32>
    %div3A_65 = arith.divf %mul3A_60, %add3A_64 : vector<4xf32>
    %stack3A = vector.shape_cast %div3A_57 : vector<4xf32> to vector<1x4xf32>
    %stack3A_66 = vector.shape_cast %div3A_65 : vector<4xf32> to vector<1x4xf32>
    %stack3A_67 = tpu.concatenate %stack3A, %stack3A_66 in 0 : vector<1x4xf32>, vector<1x4xf32> -> vector<2x4xf32>
    %swap3A = arith.constant 0 : index
    %swap3A_68 = arith.constant 0 : index
    %swap3A_69 = vector.load %arg2[%swap3A, %swap3A_68] : memref<2x4xf32, #tpu.memory_space<vmem>>, vector<2x4xf32>
    tpu.vector_store %arg2[%swap3A, %swap3A_68], %stack3A_67 {strides = array<i32>} : memref<2x4xf32, #tpu.memory_space<vmem>>, vector<2x4xf32>,
    return
  }
}

</mosaic_0001>

<sc_bundles>
// kernel: kernel.7.cloned.1.call-start
scs
__scs_entry_jumppad:
0x0: {  	(pc) =	sbr.rel $0x88, $3  }
0x1: {  	(tag) =	ssettag $0x0;
	lr =	simm.s32 $0x1  }
0x2: {  	[smem:$0x3F9F] =	sst lr;
	_ =	strace $0xD0000000  }
0x3: {  	_ = 	snop  }
0x4: {  	_ = 	snop  }
0x5: {  	_ = 	snop  }
0x6: {  	_ = 	snop  }
0x7: {  	_ = 	snop  }
__scs_overlays_trampoline_lowered:
0x8: {  	[smem:$0x3FAE] =	sst s0  }
0x9: {  	[smem:$0x3FAF] =	sst s1  }
0xa: {  	[smem:$0x3FB0] =	sst s2  }
0xb: {  	[smem:$0x3FB1] =	sst s3  }
0xc: {  	[smem:$0x3FB2] =	sst s4  }
0xd: {  	[smem:$0x3FB3] =	sst s5  }
0xe: {  	[smem:$0x3FB4] =	sst s6  }
0xf: {  	[smem:$0x3FB5] =	sst s7  }
0x10: {  	[smem:$0x3FB6] =	sst s8  }
0x11: {  	[smem:$0x3FB7] =	sst s9;
	s0 =	simm.s32 @!p0 $0x0  }
0x12: {  	s1 =	sld [smem:$0x3F9D];
	s0 =	simm.s32 @p0 $0x1  }
0x13: {  	[smem:$0x3FB8] =	sst s0;
	s0 =	simm.s32 @!p1 $0x0  }
0x14: {  	s2 =	sld [smem:$0x3F9C];
	s0 =	simm.s32 @p1 $0x1  }
0x15: {  	[smem:$0x3FB9] =	sst s0;
	s0 =	simm.s32 @!p2 $0x0  }
0x16: {  	s3 =	sld [smem:$0x3FDB];
	s0 =	simm.s32 @p2 $0x1  }
0x17: {  	s4 =	simm.s32 $0x1BF5;
	[smem:$0x3FBB] =	sst s0  }
0x18: {  	s0 =	sld [smem:$0x3F9E];
	_ =	swait.ge [sflag:s4], $0x0  }
0x19: {  	s7 =	sld [smem:$0x3F9F]  }
0x1a: {  	s8 =	sadd.s32 $0xFFFFE003, lr  }
0x1b: {  	s9 =	sadd.s32 $0xFFFFFEF7, lr;
	s5 =	simm.s32 $0xFFFFFFFF;
	p2 =	slt.u32 s8, $0xFFFFF086  }
0x1c: {  	p1 =	slt.u32 s9, $0xF7A;
	s5 =	simm.s32 @!p2 $0x0  }
0x1d: {  	s5 =	simm.s32 @p1 $0x1;
	p0 =	seq.s32 s7, s2  }
0x1e: {  	s7 =	smul.u32 @!p0 $0xF7A, s2;
	p2 =	seq.s32 @!p0 s5, $0x0  }
0x1f: {  	s9 =	smul.u32 $0xF7A, s1;
	s8 =	simm.s32 @!p0 $0x1BF5;
	p2 =	por !p2, p0  }
0x20: {  	[sflag:s8] =	ssyncset.s32 @!p0 $0xFFFFF086;
	s6 =	sadd.s32 @!p0 s3, s7;
	s7 =	simm.s32 @!p0 $0x108  }
0x21: {  	s3 =	sadd.s32 s3, s9;
	s6 =	sadd.s32 @!p0 $0x88, s6;
	s7 =	simm.s32 @p2 $0x1082  }
0x22: {  	[simem:s7], [sflag:s8] =	dma.local @!p0 [hbm:s6], $0xF7A  }
0x23: {  	s9 =	sor.u32 $0xD0000000, s2;
	s6 =	simm.s32 $0x108;
	_ =	swait.ge @!p0 [sflag:s8], $0x0  }
0x24: {  	s3 =	sadd.s32 $0x88, s3;
	s6 =	simm.s32 @!p1 $0x1082;
	[sflag:s4] =	ssyncset.s32 $0xFFFFF086  }
0x25: {  	[simem:s6], [sflag:s4] =	dma.local [hbm:s3], $0xF7A  }
0x26: {  	[smem:$0x3F9F] =	sst s1;
	(tag) =	ssettag s2;
	_ =	strace s9  }
0x27: {  	s1 =	sld [smem:$0x3FAF]  }
0x28: {  	s2 =	sld [smem:$0x3FB0]  }
0x29: {  	s4 =	sld [smem:$0x3FB2]  }
0x2a: {  	p0 =	seq.s32 s5, $0x0;
	s5 =	sld [smem:$0x3FB3]  }
0x2b: {  	s6 =	sld [smem:$0x3FB4]  }
0x2c: {  	s7 =	sld [smem:$0x3FB5]  }
0x2d: {  	s3 =	simm.s32 $0x108;
	s8 =	sld [smem:$0x3FB6]  }
0x2e: {  	s3 =	simm.s32 @!p0 $0x1082;
	s9 =	sld [smem:$0x3FB7]  }
0x2f: {  	lr =	sadd.s32 s0, s3;
	s0 =	sld [smem:$0x3FAE]  }
0x30: {  	s3 =	sld [smem:$0x3FB1]  }
0x31: {  	[smem:$0x3FBA] =	sst s10  }
0x32: {  	s10 =	sld [smem:$0x3FB8];
	_ =	sdelay $0x3  }
0x33: {  	p0 =	seq.s32 s10, $0x1;
	s10 =	sld [smem:$0x3FBA];
	_ =	sdelay $0x3  }
0x34: {  	[smem:$0x3FBA] =	sst s10  }
0x35: {  	s10 =	sld [smem:$0x3FB9];
	_ =	sdelay $0x3  }
0x36: {  	p1 =	seq.s32 s10, $0x1;
	s10 =	sld [smem:$0x3FBA];
	_ =	sdelay $0x3  }
0x37: {  	[smem:$0x3FBA] =	sst s10  }
0x38: {  	s10 =	sld [smem:$0x3FBB]  }
0x39: {  	_ = 	snop;
	(pc) =	sbr.ind lr, $3  }
0x3a: {  	_ = 	snop  }
0x3b: {  	_ = 	snop  }
0x3c: {  	p2 =	seq.s32 s10, $0x1;
	s10 =	sld [smem:$0x3FBA]  }
0x3d: {  	_ =	shalt  }
0x3e: {  	_ =	shalt  }
0x3f: {  	_ =	shalt  }
0x40: {  	_ =	shalt  }
0x41: {  	_ =	shalt  }
0x42: {  	_ =	shalt  }
0x43: {  	_ =	shalt  }
0x44: {  	_ =	shalt  }
0x45: {  	_ =	shalt  }
0x46: {  	_ =	shalt  }
0x47: {  	_ =	shalt  }
0x48: {  	_ =	shalt  }
0x49: {  	_ =	shalt  }
0x4a: {  	_ =	shalt  }
0x4b: {  	_ =	shalt  }
0x4c: {  	_ =	shalt  }
0x4d: {  	_ =	shalt  }
0x4e: {  	_ =	shalt  }
0x4f: {  	_ =	shalt  }
0x50: {  	_ =	shalt  }
0x51: {  	_ =	shalt  }
0x52: {  	_ =	shalt  }
0x53: {  	_ =	shalt  }
0x54: {  	_ =	shalt  }
0x55: {  	_ =	shalt  }
0x56: {  	_ =	shalt  }
0x57: {  	_ =	shalt  }
0x58: {  	_ =	shalt  }
0x59: {  	_ =	shalt  }
0x5a: {  	_ =	shalt  }
0x5b: {  	_ =	shalt  }
0x5c: {  	_ =	shalt  }
0x5d: {  	_ =	shalt  }
0x5e: {  	_ =	shalt  }
0x5f: {  	_ =	shalt  }
0x60: {  	_ =	shalt  }
0x61: {  	_ =	shalt  }
0x62: {  	_ =	shalt  }
0x63: {  	_ =	shalt  }
0x64: {  	_ =	shalt  }
0x65: {  	_ =	shalt  }
0x66: {  	_ =	shalt  }
0x67: {  	_ =	shalt  }
0x68: {  	_ =	shalt  }
0x69: {  	_ =	shalt  }
0x6a: {  	_ =	shalt  }
0x6b: {  	_ =	shalt  }
0x6c: {  	_ =	shalt  }
0x6d: {  	_ =	shalt  }
0x6e: {  	_ =	shalt  }
0x6f: {  	_ =	shalt  }
0x70: {  	_ =	shalt  }
0x71: {  	_ =	shalt  }
0x72: {  	_ =	shalt  }
0x73: {  	_ =	shalt  }
0x74: {  	_ =	shalt  }
0x75: {  	_ =	shalt  }
0x76: {  	_ =	shalt  }
0x77: {  	_ =	shalt  }
0x78: {  	_ =	shalt  }
0x79: {  	_ =	shalt  }
0x7a: {  	_ =	shalt  }
0x7b: {  	_ =	shalt  }
0x7c: {  	_ =	shalt  }
0x7d: {  	_ =	shalt  }
0x7e: {  	_ =	shalt  }
0x7f: {  	_ =	shalt  }
0x80: {  	_ =	shalt  }
0x81: {  	_ =	shalt  }
0x82: {  	_ =	shalt  }
0x83: {  	_ =	shalt  }
0x84: {  	_ =	shalt  }
0x85: {  	_ =	shalt  }
0x86: {  	_ =	shalt  }
0x87: {  	_ =	shalt  }
.Lfunc_end0:
.L_simem_size_0:
called_computation_lowered:
.L_overlay_start_0:
0x88: {  	s2 =	sld [smem:$0x3FD9]  }
0x89: {  	s3 =	sld [smem:$0x3FFE];
	_ =	sdelay $0x1  }
0x8a: {  	s1 =	srdreg.scid  }
0x8b: {  	s0 =	sand.u32 $0x1, s1  }
0x8c: {  	s16 =	sshll.u32 s0, $0xA;
	s2 =	sadd.s32 s3, s2  }
0x8d: {  	s2 =	sadd.s32 s2, s16  }
0x8e: {  	[smem:$0x3FC6] =	sst s2  }
0x8f: {  	_ = 	snop  }
0x90: {  	(tm) =	ssettm $0x1  }
0x91: {  	s17 =	sld [smem:$0x3FFB];
	_ =	sdelay $0x3  }
0x92: {  	_ =	strace s17  }
0x93: {  	s2 =	sld [smem:$0x3FFC];
	_ =	sdelay $0x3  }
0x94: {  	_ =	strace s2  }
0x95: {  	s2 =	sld [smem:$0x3FFD];
	_ =	sdelay $0x3  }
0x96: {  	_ =	strace s2  }
0x97: {  	_ =	strace $0x8FFFFFFF  }
0x98: {  	s18 =	sld [smem:$0x3FDB];
	_ =	sdelay $0x1  }
0x99: {  	s19 =	simm.s32 $_scs_section_size  }
0x9a: {  	s4 =	simm.s32 $_size__tile_overlayer_lowered;
	s5 =	simm.s32 $_tile_overlayer_lowered  }
0x9b: {  	s22 =	simm.s32 $0x1BFF;
	s21 =	sshll.u32 s5, $0x1;
	s2 =	sadd.s32 s19, s18  }
0x9c: {  	s6 =	simm.s32 $0x0;
	s20 =	sshll.u32 s4, $0x1;
	s4 =	sadd.s32 s21, s2  }
0x9d: {  	[timem:s6], [sflag:s22] =	dma.local [hbm:s4], s20  }
0x9e: {  	_ =	swait.ge [sflag:s22], s20  }
0x9f: {  	s3 =	ssub.s32 $0x0, s20;
	[sflag:s22] =	ssyncset.done $0x0  }
0xa0: {  	[sflag:s22] =	ssyncadd.s32 s3;
	_ =	sdelay $0x1  }
0xa1: {  	s23 =	simm.s32 $0x1B8B  }
0xa2: {  	_ =	swait.ge [sflag:s23], $0x1  }
0xa3: {  	[sflag:s23] =	ssyncset.done $0x0  }
0xa4: {  	s25 =	simm.s32 $0x1B8E;
	s24 =	sld [smem:$0x3FFE];
	[sflag:s23] =	ssyncadd.s32 $0xFFFFFFFF  }
0xa5: {  	s26 =	simm.s32 $execute0_lowered;
	[smem:$0x3FD2] =	sst s25  }
0xa6: {  	s4 =	sshll.u32 s26, $0x1;
	_ =	strace $0x80000046;
	[dreg:$0x1] =	wrdreg $0xFFFFFFFF  }
0xa7: {  	s28 =	simm.s32 $_size_execute0_lowered;
	s2 =	sadd.s32 s2, s4;
	[dreg:$0x0] =	wrdreg $0x0  }
0xa8: {  	s4 =	sshll.u32 s28, $0x1;
	[dreg:$0x2] =	wrdreg s2  }
0xa9: {  	[dreg:$0x3] =	wrdreg s4  }
0xaa: {  	[dreg:$0x4] =	wrdreg $0xC0  }
0xab: {  	_ =	task [dreg:s6], $0x5FFFF  }
0xac: {  	[dreg:$0x1] =	wrdreg $0xFFFFFFFF  }
0xad: {  	[dreg:$0x0] =	wrdreg $0x60  }
0xae: {  	[dreg:$0x2] =	wrdreg s24  }
0xaf: {  	[dreg:$0x3] =	wrdreg $0x9  }
0xb0: {  	_ =	task.clear_ibuf [dreg:s6], $0x4FFFF;
	_ =	strace $0x90000046  }
0xb1: {  	s29 =	simm.s32 $0x9;
	_ =	strace $0x80000048  }
0xb2: {  	_ =	swait.ge [sflag:s29], $0x1  }
0xb3: {  	[sflag:s29] =	ssyncadd.s32 $0xFFFFFFFF  }
0xb4: {  	_ =	strace $0x90000048  }
0xb5: {  	_ =	sfence  }
0xb6: {  	s30 =	sld [smem:$0x0];
	_ =	sdelay $0x2  }
0xb7: {  	s31 =	sshll.u32 s1, $0xD;
	s1 =	sshrl.u32 s1, $0x2  }
0xb8: {  	s3 =	sand.u32 $0x4000, s31;
	s1 =	sadd.s32 s1, s30  }
0xb9: {  	s0 =	sor.u32 s3, s0;
	s1 =	sshll.u32 s1, $0x11  }
0xba: {  	s0 =	sor.u32 s1, s0  }
0xbb: {  	s0 =	sadd.s32 $0x8F2B, s0  }
0xbc: {  	[sflag:s0] =	ssyncadd.remote.s32 $0x1  }
0xbd: {  	_ =	sfence.sel $0xFFFF  }
0xbe: {  	[dreg:$0x0] =	wrdreg $0xFFFFFFFF;
	(pc) =	sbr.abs _section_cstart, $3  }
0xbf: {  	[dreg:$0x1] =	wrdreg $0xFFFFFFFF  }
0xc0: {  	_ =	task.clear_ibuf [dreg:s6], $0x2FFFF;
	_ =	strace $0x9FFFFFFF  }
0xc1: {  	(tm) =	ssettm $0x7FFFFFFF  }
tec
execute0_lowered:
.L_overlay_start_1:
0x0: {  	(tag) =	ssettag $0x1  }
0x1: {  	s0 =	rddreg [dreg:$0x0]  }
0x2: {  	s1 =	stileid.u32;
	s2 =	srdreg.scid;
	s15 =	simm.s32 $0x1  }
0x3: {  	s16 =	simm.s32 $0x1400;
	s17 =	simm.s32 $0x2800;
	s18 =	simm.s32 $0x3C00  }
0x4: {  	s19 =	simm.s32 $0x5000;
	s20 =	simm.s32 $0x6400;
	s22 =	simm.s32 $0x7A80  }
0x5: {  	s23 =	simm.s32 $0x7D00;
	s24 =	simm.s32 $0x7F80;
	s25 =	simm.s32 $0x0  }
0x6: {  	s3 =	sshrl.u32 s1, $0x2;
	s4 =	sand.u32 $0x1, s2;
	s5 =	sshll.u32 s1, $0x1  }
0x7: {  	s2 =	simm.s32 $0x0;
	s3 =	smul.u32 $0x280, s3;
	s14 =	sor.u32 s4, s5  }
0x8: {  	[smem:$0x7FF] =	sst s2;
	s4 =	ssub.s32 $0x2, s4;
	s5 =	smul.u32 $0x50, s14  }
0x9: {  	_ =	strace $0x80000047;
	s6 =	sshrl.u32 s4, $0x1;
	s31 =	sand.u32 $0x7, s14  }
0xa: {  	s8 =	sadd.s32 s3, s0;
	s13 =	ssub.s32 s4, s6;
	s14 =	smul.u32 $0x280, s31  }
0xb: {  	s0 =	sadd.s32 s5, s0;
	s3 =	sadd.s32 $0x4600, s8;
	s4 =	sadd.s32 $0x3C00, s8  }
0xc: {  	s5 =	sadd.s32 $0x3200, s8;
	s6 =	sadd.s32 $0x2800, s8;
	s7 =	sadd.s32 $0x1E00, s8  }
0xd: {  	s8 =	sadd.s32 $0x1400, s8;
	s13 =	smax.u32 s13, $0x1;
	s9 =	sadd.s32 $0x5000, s0  }
0xe: {  	s10 =	sadd.s32 $0x5A00, s0;
	s11 =	sadd.s32 $0x6400, s0;
	s12 =	sadd.s32 $0x6E00, s0  }
.LBB2_1:
0xf: {  	[tilespmem:s2], [sflag:$0x1] =	stream.linear.gather [hbm4b:s3+s2], $0x1400, $0x38;
	[tilespmem:$0x8200] =	vst v63  }
0x10: {  	_ =	swait.ge [sflag:s15], $0x1400  }
0x11: {  	[sflag:s15] =	ssyncset.done $0x0  }
0x12: {  	[sflag:s15] =	ssyncadd.s32 $0xFFFFEC00  }
0x13: {  	[tilespmem:s16], [sflag:$0x1] =	stream.linear.gather [hbm4b:s4+s2], $0x1400, $0x38;
	[tilespmem:$0x8200] =	vst v63  }
0x14: {  	_ =	swait.ge [sflag:s15], $0x1400  }
0x15: {  	[sflag:s15] =	ssyncset.done $0x0  }
0x16: {  	[sflag:s15] =	ssyncadd.s32 $0xFFFFEC00  }
0x17: {  	[tilespmem:s17], [sflag:$0x1] =	stream.linear.gather [hbm4b:s5+s2], $0x1400, $0x38;
	[tilespmem:$0x8200] =	vst v63  }
0x18: {  	_ =	swait.ge [sflag:s15], $0x1400  }
0x19: {  	[sflag:s15] =	ssyncset.done $0x0  }
0x1a: {  	[sflag:s15] =	ssyncadd.s32 $0xFFFFEC00  }
0x1b: {  	[tilespmem:s18], [sflag:$0x1] =	stream.linear.gather [hbm4b:s6+s2], $0x1400, $0x38;
	[tilespmem:$0x8200] =	vst v63  }
0x1c: {  	_ =	swait.ge [sflag:s15], $0x1400  }
0x1d: {  	[sflag:s15] =	ssyncset.done $0x0  }
0x1e: {  	[sflag:s15] =	ssyncadd.s32 $0xFFFFEC00  }
0x1f: {  	[tilespmem:s19], [sflag:$0x1] =	stream.linear.gather [hbm4b:s7+s2], $0x1400, $0x38;
	[tilespmem:$0x8200] =	vst v63  }
0x20: {  	_ =	swait.ge [sflag:s15], $0x1400  }
0x21: {  	[sflag:s15] =	ssyncset.done $0x0  }
0x22: {  	[sflag:s15] =	ssyncadd.s32 $0xFFFFEC00  }
0x23: {  	[tilespmem:s20], [sflag:$0x1] =	stream.linear.gather [hbm4b:s8+s2], $0x1400, $0x38;
	[tilespmem:$0x8200] =	vst v63  }
0x24: {  	_ =	swait.ge [sflag:s15], $0x1400  }
0x25: {  	[sflag:s15] =	ssyncset.done $0x0  }
0x26: {  	s0 =	simm.s32 $0x7800;
	[sflag:s15] =	ssyncadd.s32 $0xFFFFEC00  }
0x27: {  	[tilespmem:s0], [sflag:$0x1] =	stream.linear.gather [hbm4b:s9+s2], $0x280, $0x38;
	[tilespmem:$0x8200] =	vst v63  }
0x28: {  	_ =	swait.ge [sflag:s15], $0x280  }
0x29: {  	[sflag:s15] =	ssyncset.done $0x0  }
0x2a: {  	[sflag:s15] =	ssyncadd.s32 $0xFFFFFD80  }
0x2b: {  	[tilespmem:s22], [sflag:$0x1] =	stream.linear.gather [hbm4b:s10+s2], $0x280, $0x38;
	[tilespmem:$0x8200] =	vst v63  }
0x2c: {  	s26 =	simm.s32 $0xFFFFFFFE;
	s28 =	simm.s32 $0x7D10;
	_ =	swait.ge [sflag:s15], $0x280  }
0x2d: {  	s29 =	simm.s32 $0x7A90;
	s30 =	simm.s32 $0x7F90;
	[sflag:s15] =	ssyncset.done $0x0  }
0x2e: {  	s31 =	simm.s32 $0x7810;
	s0 =	simm.s32 $0x0;
	[sflag:s15] =	ssyncadd.s32 $0xFFFFFD80  }
.LBB2_2:
0x2f: {  	v0 =	vld [tilespmem:s31+$0xFFFFFFF0];
	_ =	sdelay $0x2  }
0x30: {  	s1 =	sadd.s32 s0, s14  }
0x31: {  	s21 =	sand.u32 $0x60, s0;
	s1 =	sand.u32 $0x3F80, s1  }
0x32: {  	s21 =	sor.u32 s21, s1  }
0x33: {  	v3 =	vld [tilespmem:s21+$0x0]  }
0x34: {  	v4 =	vld [tilespmem:s21+$0x1400]  }
0x35: {  	v1 =	vld.idx.msk [tilespmem:v0+s18+$0x0], $0xffff  }
0x36: {  	v2 =	vld.idx.msk [tilespmem:v0+s19+$0x0], $0xffff  }
0x37: {  	v5 =	vld [tilespmem:s21+$0x2800]  }
0x38: {  	v0 =	vld.idx.msk [tilespmem:v0+s20+$0x0], $0xffff;
	_ =	sdelay $0x2  }
0x39: {  	v1 =	vsub.f32 v3, v1;
	v2 =	vsub.f32 v4, v2;
	_ =	sdelay $0x1  }
0x3a: {  	v0 =	vsub.f32 v5, v0;
	v1 =	vmul.f32 v1, v1;
	v2 =	vmul.f32 v2, v2;
	_ =	sdelay $0x1  }
0x3b: {  	v0 =	vmul.f32 v0, v0;
	v1 =	vadd.f32 v2, v1;
	_ =	sdelay $0x1  }
0x3c: {  	v0 =	vadd.f32 v0, v1;
	_ =	sdelay $0x1  }
0x3d: {  	[tilespmem:s28+$0xFFFFFFF0] =	vst v0  }
0x3e: {  	v0 =	vld [tilespmem:s29+$0xFFFFFFF0];
	_ =	sdelay $0x5  }
0x3f: {  	v51 =	vld [tilespmem:s21+$0x3C00]  }
0x40: {  	v52 =	vld [tilespmem:s21+$0x5000]  }
0x41: {  	v49 =	vld.idx.msk [tilespmem:v0+s2+$0x0], $0xffff  }
0x42: {  	v50 =	vld.idx.msk [tilespmem:v0+s16+$0x0], $0xffff  }
0x43: {  	v53 =	vld [tilespmem:s21+$0x6400]  }
0x44: {  	v0 =	vld.idx.msk [tilespmem:v0+s17+$0x0], $0xffff;
	_ =	sdelay $0x2  }
0x45: {  	v1 =	vsub.f32 v51, v49;
	v2 =	vsub.f32 v52, v50;
	_ =	sdelay $0x1  }
0x46: {  	v0 =	vsub.f32 v53, v0;
	v1 =	vmul.f32 v1, v1;
	v2 =	vmul.f32 v2, v2;
	_ =	sdelay $0x1  }
0x47: {  	v0 =	vmul.f32 v0, v0;
	v1 =	vadd.f32 v2, v1;
	_ =	sdelay $0x1  }
0x48: {  	v0 =	vadd.f32 v0, v1;
	_ =	sdelay $0x1  }
0x49: {  	[tilespmem:s30+$0xFFFFFFF0] =	vst v0  }
0x4a: {  	v0 =	vld [tilespmem:s31+$0x0];
	_ =	sdelay $0x2  }
0x4b: {  	s21 =	sadd.s32 $0x10, s0  }
0x4c: {  	s21 =	sand.u32 $0x70, s21  }
0x4d: {  	s1 =	sor.u32 s21, s1  }
0x4e: {  	v56 =	vld [tilespmem:s1+$0x0]  }
0x4f: {  	v57 =	vld [tilespmem:s1+$0x1400]  }
0x50: {  	v54 =	vld.idx.msk [tilespmem:v0+s18+$0x0], $0xffff  }
0x51: {  	v55 =	vld.idx.msk [tilespmem:v0+s19+$0x0], $0xffff  }
0x52: {  	v58 =	vld [tilespmem:s1+$0x2800]  }
0x53: {  	v0 =	vld.idx.msk [tilespmem:v0+s20+$0x0], $0xffff;
	_ =	sdelay $0x2  }
0x54: {  	v1 =	vsub.f32 v56, v54;
	v2 =	vsub.f32 v57, v55;
	_ =	sdelay $0x1  }
0x55: {  	v0 =	vsub.f32 v58, v0;
	v1 =	vmul.f32 v1, v1;
	v2 =	vmul.f32 v2, v2;
	_ =	sdelay $0x1  }
0x56: {  	v0 =	vmul.f32 v0, v0;
	v1 =	vadd.f32 v2, v1;
	_ =	sdelay $0x1  }
0x57: {  	v0 =	vadd.f32 v0, v1;
	_ =	sdelay $0x1  }
0x58: {  	[tilespmem:s28+$0x0] =	vst v0  }
0x59: {  	v0 =	vld [tilespmem:s29+$0x0];
	_ =	sdelay $0x5  }
0x5a: {  	v61 =	vld [tilespmem:s1+$0x3C00]  }
0x5b: {  	v62 =	vld [tilespmem:s1+$0x5000]  }
0x5c: {  	v59 =	vld.idx.msk [tilespmem:v0+s2+$0x0], $0xffff  }
0x5d: {  	v60 =	vld.idx.msk [tilespmem:v0+s16+$0x0], $0xffff  }
0x5e: {  	v63 =	vld [tilespmem:s1+$0x6400]  }
0x5f: {  	v0 =	vld.idx.msk [tilespmem:v0+s17+$0x0], $0xffff;
	_ =	sdelay $0x2  }
0x60: {  	v1 =	vsub.f32 v61, v59;
	v2 =	vsub.f32 v62, v60;
	_ =	sdelay $0x1  }
0x61: {  	s26 =	sadd.s32 $0x2, s26;
	v0 =	vsub.f32 v63, v0;
	v1 =	vmul.f32 v1, v1;
	v2 =	vmul.f32 v2, v2  }
0x62: {  	p0 =	slt.u32 s26, $0x26  }
.Ltmp0:
0x63: {  	v0 =	vmul.f32 v0, v0;
	v1 =	vadd.f32 v2, v1;
	(pc) =	sbr.rel @p0 .LBB2_2-.Ltmp0, $4  }
0x64: {  	_ = 	snop  }
0x65: {  	v0 =	vadd.f32 v0, v1  }
0x66: {  	s0 =	sadd.s32 $0x20, s0;
	s31 =	sadd.s32 $0x20, s31  }
0x67: {  	s28 =	sadd.s32 $0x20, s28;
	s29 =	sadd.s32 $0x20, s29;
	[tilespmem:s30+$0x0] =	vst v0;
	s30 =	sadd.s32 $0x20, s30  }
0x68: {  	[hbm4b:s11+s2] =	stream.linear.scatter [tilespmem:s23], [sflag:$0x1], $0x280, $0x38;
	[tilespmem:$0x8200] =	vst v63  }
0x69: {  	s25 =	sadd.s32 $0x1, s25;
	_ =	swait.ge [sflag:s15], $0x280  }
0x6a: {  	p0 =	sne.s32 s25, s13;
	[sflag:s15] =	ssyncset.done $0x0  }
.Ltmp1:
0x6b: {  	[sflag:s15] =	ssyncadd.s32 $0xFFFFFD80;
	(pc) =	sbr.rel @p0 .LBB2_1-.Ltmp1, $4  }
0x6c: {  	[hbm4b:s12+s2] =	stream.linear.scatter [tilespmem:s24], [sflag:$0x1], $0x280, $0x38;
	[tilespmem:$0x8200] =	vst v63  }
0x6d: {  	_ =	swait.ge [sflag:s15], $0x280  }
0x6e: {  	[sflag:s15] =	ssyncset.done $0x0  }
0x6f: {  	[sflag:s15] =	ssyncadd.s32 $0xFFFFFD80  }
0x70: {  	_ =	sfence.sel $0x180000  }
0x71: {  	[bflag:$0x0] =	sbarrier.arrive $0xFFFF  }
0x72: {  	_ =	strace $0x90000047  }
0x73: {  	s0 =	stileid.u32;
	[bflag:$0x2] =	sbarrier.arrive $0xFFFF  }
0x74: {  	p0 =	sne.s32 s0, $0x0;
	s0 =	rddreg [dreg:$0x1]  }
0x75: {  	s0 =	sadd.s32 @!p0 $0x100000, s0  }
0x76: {  	[sflag:s0] =	ssyncadd.tile.s32 @!p0 $0x1;
	_ =	shalt  }
.Lfunc_end2:
_tile_overlayer_lowered:
.L_overlay_start_2:
0x77: {  	(tag) =	ssettag $0x2  }
0x78: {  	s0 =	rddreg [dreg:$0x0];
	s2 =	stileid.u32  }
0x79: {  	s1 =	rddreg [dreg:$0x1];
	p0 =	sne.s32 s2, $0x0  }
0x7a: {  	s3 =	rddreg [dreg:$0x2];
	[bflag:$0x3] =	sbarrier.arrive $0xFFFF;
	s2 =	simm.s32 @!p0 $0x1C01  }
0x7b: {  	[timem:s3], [sflag:s2] =	dma.local @!p0 [hbm:s0], s1  }
0x7c: {  	s0 =	simm.s32 @!p0 $0x1  }
0x7d: {  	_ =	swait.ge @!p0 [sflag:s0], s1  }
0x7e: {  	s1 =	ssub.s32 @!p0 $0x0, s1;
	[sflag:s0] =	ssyncset.done @!p0 $0x0  }
0x7f: {  	[sflag:s0] =	ssyncadd.s32 @!p0 s1  }
0x80: {  	[bflag:$0x3] =	sbarrier.arrive $0xFFFF  }
0x81: {  	_ =	shalt  }

</sc_bundles>
